<compile_context>
chip_gen: v7x
topology: tpu7x:2x2x1
jax: 0.10.2.dev20260603
libtpu: 0.0.44.dev20260713+nightly
codegen_flags: <defaults>
</compile_context>

<pallas_src>
import functools

import jax
import jax.numpy as jnp
from jax import lax
from jax.experimental import pallas as pl
from jax.experimental.pallas import tpu as pltpu
from jax.experimental.pallas import tpu_sc as plsc

HEIGHT = 128
MAX_SCALE = 3.5

NC = 2
NS = 16
NW = NC * NS
LANES = 16

HH = 32


def _bin16(xv):
    xc = jnp.clip(xv, -MAX_SCALE, MAX_SCALE)
    bins = (xc + MAX_SCALE) / (2.0 * MAX_SCALE) * HEIGHT
    return jnp.clip(bins.astype(jnp.int32), 0, HEIGHT - 1)


def _sc_kernel(batch, seq):
    bpw = batch // NW
    nchunk = HEIGHT // HH
    mesh = plsc.VectorSubcoreMesh(core_axis_name="c", subcore_axis_name="s")

    @functools.partial(
        pl.kernel,
        out_type=jax.ShapeDtypeStruct((batch * HEIGHT * seq,), jnp.float32),
        mesh=mesh,
        scratch_types=[
            pltpu.VMEM((HH * seq,), jnp.float32),
            pltpu.VMEM((seq,), jnp.float32),
        ],
        compiler_params=pltpu.CompilerParams(
            use_tc_tiling_on_sc=False, needs_layout_passes=False
        ),
    )
    def run(x_hbm, out_hbm, img_v, xrow_v):
        wid = lax.axis_index("s") * NC + lax.axis_index("c")
        lane = lax.broadcasted_iota(jnp.int32, (LANES,), 0)
        ones = jnp.full((LANES,), 1.0, jnp.float32)
        zeros = jnp.zeros((LANES,), jnp.float32)

        def zrow(i, _):
            img_v[pl.ds(i * LANES, LANES)] = zeros
            return 0

        lax.fori_loop(0, HH * seq // LANES, zrow, 0)

        def scatter_pass(h0, vals):
            def body(j, _):
                xv = xrow_v[pl.ds(j * LANES, LANES)]
                iv = _bin16(xv)
                m = (iv >= h0) & (iv < h0 + HH)
                rel = jnp.where(m, iv - h0, 0)
                flat = rel * seq + j * LANES + lane
                plsc.store_scatter(img_v, [flat], vals, mask=m)
                return 0

            lax.fori_loop(0, seq // LANES, body, 0)

        def one_batch(bi, _):
            b = wid * bpw + bi
            pltpu.sync_copy(x_hbm.at[pl.ds(b * seq, seq)], xrow_v)
            for c in range(nchunk):
                h0 = c * HH
                scatter_pass(h0, ones)
                pltpu.sync_copy(
                    img_v,
                    out_hbm.at[pl.ds(b * (HEIGHT * seq) + h0 * seq, HH * seq)],
                )
                scatter_pass(h0, zeros)
            return 0

        lax.fori_loop(0, bpw, one_batch, 0)

    return run


def _tc_kernel_body(x_ref, o_ref):
    x = x_ref[...]
    xc = jnp.clip(x, -MAX_SCALE, MAX_SCALE)
    bins = (xc + MAX_SCALE) / (2.0 * MAX_SCALE) * HEIGHT
    idx = jnp.clip(bins.astype(jnp.int32), 0, HEIGHT - 1)
    bb, t = x.shape
    rows = jax.lax.broadcasted_iota(jnp.int32, (bb, 1, HEIGHT, t), 2)
    o_ref[...] = (rows == idx[:, None, None, :]).astype(jnp.float32)


def _tc_kernel(batch, seq):
    bb = 8
    return pl.pallas_call(
        _tc_kernel_body,
        grid=(batch // bb,),
        in_specs=[pl.BlockSpec((bb, seq), lambda i: (i, 0))],
        out_specs=pl.BlockSpec((bb, 1, HEIGHT, seq), lambda i: (i, 0, 0, 0)),
        out_shape=jax.ShapeDtypeStruct((batch, 1, HEIGHT, seq), jnp.float32),
    )


B_SC = 64


def kernel(x):
    batch, seq = x.shape
    b_tc = batch - B_SC
    tc_out = _tc_kernel(b_tc, seq)(x[:b_tc])
    sc_flat = _sc_kernel(B_SC, seq)(x[b_tc:].reshape(B_SC * seq))
    sc_out = sc_flat.reshape(B_SC, 1, HEIGHT, seq)
    return (tc_out, sc_out)

# --- scband reference (transcript-rebuilt; emitter-appended) ---
"""Pipeline reference for scband-time-series-to2-d-66829691126343 (READ-ONLY COPY).

The authoritative reference and input builder live on the scoring server;
editing this copy changes nothing except your own understanding.
"""

import jax, jax.numpy as jnp
import numpy as np

HEIGHT = 128
MAX_SCALE = 3.5


def setup_inputs(seed: int = 0) -> dict:
    key = jax.random.key(seed)
    x = jax.random.normal(key, (256, 2048), dtype=jnp.float32)
    return {"x": x}


def reference(x):
    # x: (batch, seq_len) float32
    x_clipped = jnp.clip(x, -MAX_SCALE, MAX_SCALE)
    bin_indices = (x_clipped + MAX_SCALE) / (2.0 * MAX_SCALE) * HEIGHT
    bin_indices = jnp.clip(bin_indices.astype(jnp.int32), 0, HEIGHT - 1)
    # one-hot along height: (batch, seq_len, H)
    one_hot = jax.nn.one_hot(bin_indices, HEIGHT, dtype=jnp.float32)
    # permute to (batch, H, seq_len) then add channel dim -> (batch, 1, H, seq_len)
    image = jnp.transpose(one_hot, (0, 2, 1))[:, None, :, :]
    return image

if __name__ == "__main__":
    import jax
    _d = setup_inputs()
    print(jax.jit(kernel)(*tuple(_d.values())))

</pallas_src>

<mosaic_0001>
#map = affine_map<(d0, d1) -> (0)>
module attributes {stable_mosaic.version = 14 : i64} {
  func.func @run(%arg0: i32, %arg1: i32, %arg2: memref<131072xf32, #tpu.memory_space<hbm>>, %arg3: memref<16777216xf32, #tpu.memory_space<hbm>>, %arg4: memref<65536xf32, #tpu.memory_space<vmem>>, %arg5: memref<2048xf32, #tpu.memory_space<vmem>>) attributes {dimension_semantics = [#tpu.dimension_semantics<core_parallel>, #tpu.dimension_semantics<subcore_parallel>], iteration_bounds = array<i64: 2, 16>, scalar_prefetch = 0 : i64, scratch_operands = 2 : i64, tpu.core_type = #tpu.core_type<sc_vector_subcore>, window_params = [{transform_indices = #map}, {transform_indices = #map}]} {
    %mul3A = arith.constant 2 : i32
    %mul3A_0 = arith.muli %arg1, %mul3A : i32
    %add3A = arith.addi %mul3A_0, %arg0 : i32
    %iota3A = tpu.iota {dimensions = array<i32: 0>} : vector<16xi32>
    %broadcast_in_dim3A = arith.constant 1.000000e+00 : f32
    %broadcast_in_dim3A_1 = vector.broadcast %broadcast_in_dim3A : f32 to vector<16xf32>
    %broadcast_in_dim3A_2 = arith.constant 0.000000e+00 : f32
    %broadcast_in_dim3A_3 = vector.broadcast %broadcast_in_dim3A_2 : f32 to vector<16xf32>
    %scan3A = arith.constant 0 : i32
    %scan3A_4 = arith.constant 0 : i32
    %scan3A_5 = arith.constant 4096 : i32
    %scan3A_6 = arith.addi %scan3A_4, %scan3A_5 : i32
    %scan3A_7 = arith.constant 1 : i32
    %scan3A_8 = scf.for %scan3A_17 = %scan3A_4 to %scan3A_6 step %scan3A_7 iter_args(%scan3A_18 = %scan3A) -> (i32)  : i32 {
      %mul3A_19 = arith.constant 16 : i32
      %mul3A_20 = arith.muli %scan3A_17, %mul3A_19 : i32
      %swap3A = arith.index_cast %mul3A_20 : i32 to index
      %swap3A_21 = tpu.vector_load %arg4[%swap3A] {strides = array<i32>} : memref<65536xf32, #tpu.memory_space<vmem>>, vector<16xf32>,
      tpu.vector_store %arg4[%swap3A], %broadcast_in_dim3A_3 {strides = array<i32>} : memref<65536xf32, #tpu.memory_space<vmem>>, vector<16xf32>,
      %scan3A_22 = arith.constant 0 : i32
      scf.yield %scan3A_22 : i32
    }
    %scan3A_9 = arith.constant 4096 : i32
    %scan3A_10 = arith.constant 0 : i32
    %scan3A_11 = arith.constant 0 : i32
    %scan3A_12 = arith.constant 2 : i32
    %scan3A_13 = arith.addi %scan3A_11, %scan3A_12 : i32
    %scan3A_14 = arith.constant 1 : i32
    %scan3A_15 = scf.for %scan3A_17 = %scan3A_11 to %scan3A_13 step %scan3A_14 iter_args(%scan3A_18 = %scan3A_10) -> (i32)  : i32 {
      %mul3A_19 = arith.constant 2 : i32
      %mul3A_20 = arith.muli %add3A, %mul3A_19 : i32
      %add3A_21 = arith.addi %mul3A_20, %scan3A_17 : i32
      %mul3A_22 = arith.constant 2048 : i32
      %mul3A_23 = arith.muli %add3A_21, %mul3A_22 : i32
      "tpu.region"() ({
        %run_scoped3A = tpu.sem_alloc : memref<!tpu.dma_semaphore, #tpu.memory_space<semaphore_mem>>
        %dma_start3A = tpu.memref_slice %arg2[%mul3A_23] : memref<131072xf32, #tpu.memory_space<hbm>> -> memref<2048xf32, #tpu.memory_space<hbm>>
        %dma_start3A_97 = tpu.memref_slice %arg2[%mul3A_23] : memref<131072xf32, #tpu.memory_space<hbm>> -> memref<2048xf32, #tpu.memory_space<hbm>>
        tpu.enqueue_dma source(%dma_start3A_97 : memref<2048xf32, #tpu.memory_space<hbm>>) target(%arg5 : memref<2048xf32, #tpu.memory_space<vmem>>) target_semaphore(%run_scoped3A : memref<!tpu.dma_semaphore, #tpu.memory_space<semaphore_mem>>)
        %dma_wait3A = tpu.memref_slice %arg2[%mul3A_23] : memref<131072xf32, #tpu.memory_space<hbm>> -> memref<2048xf32, #tpu.memory_space<hbm>>
        %dma_wait3A_98 = tpu.memref_slice %arg2[%mul3A_23] : memref<131072xf32, #tpu.memory_space<hbm>> -> memref<2048xf32, #tpu.memory_space<hbm>>
        tpu.wait_dma2 semaphore(%run_scoped3A : memref<!tpu.dma_semaphore, #tpu.memory_space<semaphore_mem>>) src(%dma_wait3A_98 : memref<2048xf32, #tpu.memory_space<hbm>>) dst(%arg5 : memref<2048xf32, #tpu.memory_space<vmem>>)
        tpu.yield
      }) : () -> ()
      %scan3A_24 = arith.constant 0 : i32
      %scan3A_25 = arith.constant 0 : i32
      %scan3A_26 = arith.constant 128 : i32
      %scan3A_27 = arith.addi %scan3A_25, %scan3A_26 : i32
      %scan3A_28 = arith.constant 1 : i32
      %scan3A_29 = scf.for %scan3A_97 = %scan3A_25 to %scan3A_27 step %scan3A_28 iter_args(%scan3A_98 = %scan3A_24) -> (i32)  : i32 {
        %mul3A_99 = arith.constant 16 : i32
        %mul3A_100 = arith.muli %scan3A_97, %mul3A_99 : i32
        %get3A = arith.index_cast %mul3A_100 : i32 to index
        %get3A_101 = tpu.vector_load %arg5[%get3A] {strides = array<i32>} : memref<2048xf32, #tpu.memory_space<vmem>>, vector<16xf32>,
        %jit3A = arith.constant -3.500000e+00 : f32
        %jit3A_102 = arith.constant 3.500000e+00 : f32
        %max3A = vector.broadcast %jit3A : f32 to vector<16xf32>
        %max3A_103 = arith.maximumf %max3A, %get3A_101 : vector<16xf32>
        %min3A = vector.broadcast %jit3A_102 : f32 to vector<16xf32>
        %min3A_104 = arith.minimumf %min3A, %max3A_103 : vector<16xf32>
        %add3A_105 = arith.constant 3.500000e+00 : f32
        %add3A_106 = vector.broadcast %add3A_105 : f32 to vector<16xf32>
        %add3A_107 = arith.addf %min3A_104, %add3A_106 : vector<16xf32>
        %div3A = arith.constant 7.000000e+00 : f32
        %div3A_108 = vector.broadcast %div3A : f32 to vector<16xf32>
        %div3A_109 = arith.divf %add3A_107, %div3A_108 : vector<16xf32>
        %mul3A_110 = arith.constant 1.280000e+02 : f32
        %mul3A_111 = vector.broadcast %mul3A_110 : f32 to vector<16xf32>
        %mul3A_112 = arith.mulf %div3A_109, %mul3A_111 : vector<16xf32>
        %convert_element_type3A = arith.fptosi %mul3A_112 : vector<16xf32> to vector<16xi32>
        %jit3A_113 = arith.constant 0 : i32
        %jit3A_114 = arith.constant 127 : i32
        %max3A_115 = vector.broadcast %jit3A_113 : i32 to vector<16xi32>
        %max3A_116 = arith.maxsi %max3A_115, %convert_element_type3A : vector<16xi32>
        %min3A_117 = vector.broadcast %jit3A_114 : i32 to vector<16xi32>
        %min3A_118 = arith.minsi %min3A_117, %max3A_116 : vector<16xi32>
        %ge3A = arith.constant 0 : i32
        %ge3A_119 = vector.broadcast %ge3A : i32 to vector<16xi32>
        %ge3A_120 = arith.cmpi sge, %min3A_118, %ge3A_119 : vector<16xi32>
        %lt3A = arith.constant 32 : i32
        %lt3A_121 = vector.broadcast %lt3A : i32 to vector<16xi32>
        %lt3A_122 = arith.cmpi slt, %min3A_118, %lt3A_121 : vector<16xi32>
        %and3A = arith.andi %ge3A_120, %lt3A_122 : vector<16xi1>
        %sub3A = arith.constant 0 : i32
        %sub3A_123 = vector.broadcast %sub3A : i32 to vector<16xi32>
        %sub3A_124 = arith.subi %min3A_118, %sub3A_123 : vector<16xi32>
        %jit3A_125 = arith.constant 0 : i32
        %broadcast_in_dim3A_126 = vector.broadcast %jit3A_125 : i32 to vector<16xi32>
        %select_n3A = arith.select %and3A, %sub3A_124, %broadcast_in_dim3A_126 : vector<16xi1>, vector<16xi32>
        %mul3A_127 = arith.constant 2048 : i32
        %mul3A_128 = vector.broadcast %mul3A_127 : i32 to vector<16xi32>
        %mul3A_129 = arith.muli %select_n3A, %mul3A_128 : vector<16xi32>
        %mul3A_130 = arith.constant 16 : i32
        %mul3A_131 = arith.muli %scan3A_97, %mul3A_130 : i32
        %add3A_132 = vector.broadcast %mul3A_131 : i32 to vector<16xi32>
        %add3A_133 = arith.addi %mul3A_129, %add3A_132 : vector<16xi32>
        %add3A_134 = arith.addi %add3A_133, %iota3A : vector<16xi32>
        tpu.vector_store_idx %arg4[%add3A_134], %broadcast_in_dim3A_1 masked %and3A : memref<65536xf32, #tpu.memory_space<vmem>>[vector<16xi32>], vector<16xf32>, vector<16xi1>
        %scan3A_135 = arith.constant 0 : i32
        scf.yield %scan3A_135 : i32
      }
      %scan3A_30 = arith.constant 128 : i32
      %mul3A_31 = arith.constant 262144 : i32
      %mul3A_32 = arith.muli %add3A_21, %mul3A_31 : i32
      %add3A_33 = arith.constant 0 : i32
      %add3A_34 = arith.addi %mul3A_32, %add3A_33 : i32
      "tpu.region"() ({
        %run_scoped3A = tpu.sem_alloc : memref<!tpu.dma_semaphore, #tpu.memory_space<semaphore_mem>>
        %dma_start3A = tpu.memref_slice %arg3[%add3A_34] : memref<16777216xf32, #tpu.memory_space<hbm>> -> memref<65536xf32, #tpu.memory_space<hbm>>
        %dma_start3A_97 = tpu.memref_slice %arg3[%add3A_34] : memref<16777216xf32, #tpu.memory_space<hbm>> -> memref<65536xf32, #tpu.memory_space<hbm>>
        tpu.enqueue_dma source(%arg4 : memref<65536xf32, #tpu.memory_space<vmem>>) target(%dma_start3A_97 : memref<65536xf32, #tpu.memory_space<hbm>>) target_semaphore(%run_scoped3A : memref<!tpu.dma_semaphore, #tpu.memory_space<semaphore_mem>>)
        %dma_wait3A = tpu.memref_slice %arg3[%add3A_34] : memref<16777216xf32, #tpu.memory_space<hbm>> -> memref<65536xf32, #tpu.memory_space<hbm>>
        %dma_wait3A_98 = tpu.memref_slice %arg3[%add3A_34] : memref<16777216xf32, #tpu.memory_space<hbm>> -> memref<65536xf32, #tpu.memory_space<hbm>>
        tpu.wait_dma2 semaphore(%run_scoped3A : memref<!tpu.dma_semaphore, #tpu.memory_space<semaphore_mem>>) src(%arg4 : memref<65536xf32, #tpu.memory_space<vmem>>) dst(%dma_wait3A_98 : memref<65536xf32, #tpu.memory_space<hbm>>)
        tpu.yield
      }) : () -> ()
      %scan3A_35 = arith.constant 0 : i32
      %scan3A_36 = arith.constant 0 : i32
      %scan3A_37 = arith.constant 128 : i32
      %scan3A_38 = arith.addi %scan3A_36, %scan3A_37 : i32
      %scan3A_39 = arith.constant 1 : i32
      %scan3A_40 = scf.for %scan3A_97 = %scan3A_36 to %scan3A_38 step %scan3A_39 iter_args(%scan3A_98 = %scan3A_35) -> (i32)  : i32 {
        %mul3A_99 = arith.constant 16 : i32
        %mul3A_100 = arith.muli %scan3A_97, %mul3A_99 : i32
        %get3A = arith.index_cast %mul3A_100 : i32 to index
        %get3A_101 = tpu.vector_load %arg5[%get3A] {strides = array<i32>} : memref<2048xf32, #tpu.memory_space<vmem>>, vector<16xf32>,
        %jit3A = arith.constant -3.500000e+00 : f32
        %jit3A_102 = arith.constant 3.500000e+00 : f32
        %max3A = vector.broadcast %jit3A : f32 to vector<16xf32>
        %max3A_103 = arith.maximumf %max3A, %get3A_101 : vector<16xf32>
        %min3A = vector.broadcast %jit3A_102 : f32 to vector<16xf32>
        %min3A_104 = arith.minimumf %min3A, %max3A_103 : vector<16xf32>
        %add3A_105 = arith.constant 3.500000e+00 : f32
        %add3A_106 = vector.broadcast %add3A_105 : f32 to vector<16xf32>
        %add3A_107 = arith.addf %min3A_104, %add3A_106 : vector<16xf32>
        %div3A = arith.constant 7.000000e+00 : f32
        %div3A_108 = vector.broadcast %div3A : f32 to vector<16xf32>
        %div3A_109 = arith.divf %add3A_107, %div3A_108 : vector<16xf32>
        %mul3A_110 = arith.constant 1.280000e+02 : f32
        %mul3A_111 = vector.broadcast %mul3A_110 : f32 to vector<16xf32>
        %mul3A_112 = arith.mulf %div3A_109, %mul3A_111 : vector<16xf32>
        %convert_element_type3A = arith.fptosi %mul3A_112 : vector<16xf32> to vector<16xi32>
        %jit3A_113 = arith.constant 0 : i32
        %jit3A_114 = arith.constant 127 : i32
        %max3A_115 = vector.broadcast %jit3A_113 : i32 to vector<16xi32>
        %max3A_116 = arith.maxsi %max3A_115, %convert_element_type3A : vector<16xi32>
        %min3A_117 = vector.broadcast %jit3A_114 : i32 to vector<16xi32>
        %min3A_118 = arith.minsi %min3A_117, %max3A_116 : vector<16xi32>
        %ge3A = arith.constant 0 : i32
        %ge3A_119 = vector.broadcast %ge3A : i32 to vector<16xi32>
        %ge3A_120 = arith.cmpi sge, %min3A_118, %ge3A_119 : vector<16xi32>
        %lt3A = arith.constant 32 : i32
        %lt3A_121 = vector.broadcast %lt3A : i32 to vector<16xi32>
        %lt3A_122 = arith.cmpi slt, %min3A_118, %lt3A_121 : vector<16xi32>
        %and3A = arith.andi %ge3A_120, %lt3A_122 : vector<16xi1>
        %sub3A = arith.constant 0 : i32
        %sub3A_123 = vector.broadcast %sub3A : i32 to vector<16xi32>
        %sub3A_124 = arith.subi %min3A_118, %sub3A_123 : vector<16xi32>
        %jit3A_125 = arith.constant 0 : i32
        %broadcast_in_dim3A_126 = vector.broadcast %jit3A_125 : i32 to vector<16xi32>
        %select_n3A = arith.select %and3A, %sub3A_124, %broadcast_in_dim3A_126 : vector<16xi1>, vector<16xi32>
        %mul3A_127 = arith.constant 2048 : i32
        %mul3A_128 = vector.broadcast %mul3A_127 : i32 to vector<16xi32>
        %mul3A_129 = arith.muli %select_n3A, %mul3A_128 : vector<16xi32>
        %mul3A_130 = arith.constant 16 : i32
        %mul3A_131 = arith.muli %scan3A_97, %mul3A_130 : i32
        %add3A_132 = vector.broadcast %mul3A_131 : i32 to vector<16xi32>
        %add3A_133 = arith.addi %mul3A_129, %add3A_132 : vector<16xi32>
        %add3A_134 = arith.addi %add3A_133, %iota3A : vector<16xi32>
        tpu.vector_store_idx %arg4[%add3A_134], %broadcast_in_dim3A_3 masked %and3A : memref<65536xf32, #tpu.memory_space<vmem>>[vector<16xi32>], vector<16xf32>, vector<16xi1>
        %scan3A_135 = arith.constant 0 : i32
        scf.yield %scan3A_135 : i32
      }
      %scan3A_41 = arith.constant 128 : i32
      %scan3A_42 = arith.constant 0 : i32
      %scan3A_43 = arith.constant 0 : i32
      %scan3A_44 = arith.constant 128 : i32
      %scan3A_45 = arith.addi %scan3A_43, %scan3A_44 : i32
      %scan3A_46 = arith.constant 1 : i32
      %scan3A_47 = scf.for %scan3A_97 = %scan3A_43 to %scan3A_45 step %scan3A_46 iter_args(%scan3A_98 = %scan3A_42) -> (i32)  : i32 {
        %mul3A_99 = arith.constant 16 : i32
        %mul3A_100 = arith.muli %scan3A_97, %mul3A_99 : i32
        %get3A = arith.index_cast %mul3A_100 : i32 to index
        %get3A_101 = tpu.vector_load %arg5[%get3A] {strides = array<i32>} : memref<2048xf32, #tpu.memory_space<vmem>>, vector<16xf32>,
        %jit3A = arith.constant -3.500000e+00 : f32
        %jit3A_102 = arith.constant 3.500000e+00 : f32
        %max3A = vector.broadcast %jit3A : f32 to vector<16xf32>
        %max3A_103 = arith.maximumf %max3A, %get3A_101 : vector<16xf32>
        %min3A = vector.broadcast %jit3A_102 : f32 to vector<16xf32>
        %min3A_104 = arith.minimumf %min3A, %max3A_103 : vector<16xf32>
        %add3A_105 = arith.constant 3.500000e+00 : f32
        %add3A_106 = vector.broadcast %add3A_105 : f32 to vector<16xf32>
        %add3A_107 = arith.addf %min3A_104, %add3A_106 : vector<16xf32>
        %div3A = arith.constant 7.000000e+00 : f32
        %div3A_108 = vector.broadcast %div3A : f32 to vector<16xf32>
        %div3A_109 = arith.divf %add3A_107, %div3A_108 : vector<16xf32>
        %mul3A_110 = arith.constant 1.280000e+02 : f32
        %mul3A_111 = vector.broadcast %mul3A_110 : f32 to vector<16xf32>
        %mul3A_112 = arith.mulf %div3A_109, %mul3A_111 : vector<16xf32>
        %convert_element_type3A = arith.fptosi %mul3A_112 : vector<16xf32> to vector<16xi32>
        %jit3A_113 = arith.constant 0 : i32
        %jit3A_114 = arith.constant 127 : i32
        %max3A_115 = vector.broadcast %jit3A_113 : i32 to vector<16xi32>
        %max3A_116 = arith.maxsi %max3A_115, %convert_element_type3A : vector<16xi32>
        %min3A_117 = vector.broadcast %jit3A_114 : i32 to vector<16xi32>
        %min3A_118 = arith.minsi %min3A_117, %max3A_116 : vector<16xi32>
        %ge3A = arith.constant 32 : i32
        %ge3A_119 = vector.broadcast %ge3A : i32 to vector<16xi32>
        %ge3A_120 = arith.cmpi sge, %min3A_118, %ge3A_119 : vector<16xi32>
        %lt3A = arith.constant 64 : i32
        %lt3A_121 = vector.broadcast %lt3A : i32 to vector<16xi32>
        %lt3A_122 = arith.cmpi slt, %min3A_118, %lt3A_121 : vector<16xi32>
        %and3A = arith.andi %ge3A_120, %lt3A_122 : vector<16xi1>
        %sub3A = arith.constant 32 : i32
        %sub3A_123 = vector.broadcast %sub3A : i32 to vector<16xi32>
        %sub3A_124 = arith.subi %min3A_118, %sub3A_123 : vector<16xi32>
        %jit3A_125 = arith.constant 0 : i32
        %broadcast_in_dim3A_126 = vector.broadcast %jit3A_125 : i32 to vector<16xi32>
        %select_n3A = arith.select %and3A, %sub3A_124, %broadcast_in_dim3A_126 : vector<16xi1>, vector<16xi32>
        %mul3A_127 = arith.constant 2048 : i32
        %mul3A_128 = vector.broadcast %mul3A_127 : i32 to vector<16xi32>
        %mul3A_129 = arith.muli %select_n3A, %mul3A_128 : vector<16xi32>
        %mul3A_130 = arith.constant 16 : i32
        %mul3A_131 = arith.muli %scan3A_97, %mul3A_130 : i32
        %add3A_132 = vector.broadcast %mul3A_131 : i32 to vector<16xi32>
        %add3A_133 = arith.addi %mul3A_129, %add3A_132 : vector<16xi32>
        %add3A_134 = arith.addi %add3A_133, %iota3A : vector<16xi32>
        tpu.vector_store_idx %arg4[%add3A_134], %broadcast_in_dim3A_1 masked %and3A : memref<65536xf32, #tpu.memory_space<vmem>>[vector<16xi32>], vector<16xf32>, vector<16xi1>
        %scan3A_135 = arith.constant 0 : i32
        scf.yield %scan3A_135 : i32
      }
      %scan3A_48 = arith.constant 128 : i32
      %mul3A_49 = arith.constant 262144 : i32
      %mul3A_50 = arith.muli %add3A_21, %mul3A_49 : i32
      %add3A_51 = arith.constant 65536 : i32
      %add3A_52 = arith.addi %mul3A_50, %add3A_51 : i32
      "tpu.region"() ({
        %run_scoped3A = tpu.sem_alloc : memref<!tpu.dma_semaphore, #tpu.memory_space<semaphore_mem>>
        %dma_start3A = tpu.memref_slice %arg3[%add3A_52] : memref<16777216xf32, #tpu.memory_space<hbm>> -> memref<65536xf32, #tpu.memory_space<hbm>>
        %dma_start3A_97 = tpu.memref_slice %arg3[%add3A_52] : memref<16777216xf32, #tpu.memory_space<hbm>> -> memref<65536xf32, #tpu.memory_space<hbm>>
        tpu.enqueue_dma source(%arg4 : memref<65536xf32, #tpu.memory_space<vmem>>) target(%dma_start3A_97 : memref<65536xf32, #tpu.memory_space<hbm>>) target_semaphore(%run_scoped3A : memref<!tpu.dma_semaphore, #tpu.memory_space<semaphore_mem>>)
        %dma_wait3A = tpu.memref_slice %arg3[%add3A_52] : memref<16777216xf32, #tpu.memory_space<hbm>> -> memref<65536xf32, #tpu.memory_space<hbm>>
        %dma_wait3A_98 = tpu.memref_slice %arg3[%add3A_52] : memref<16777216xf32, #tpu.memory_space<hbm>> -> memref<65536xf32, #tpu.memory_space<hbm>>
        tpu.wait_dma2 semaphore(%run_scoped3A : memref<!tpu.dma_semaphore, #tpu.memory_space<semaphore_mem>>) src(%arg4 : memref<65536xf32, #tpu.memory_space<vmem>>) dst(%dma_wait3A_98 : memref<65536xf32, #tpu.memory_space<hbm>>)
        tpu.yield
      }) : () -> ()
      %scan3A_53 = arith.constant 0 : i32
      %scan3A_54 = arith.constant 0 : i32
      %scan3A_55 = arith.constant 128 : i32
      %scan3A_56 = arith.addi %scan3A_54, %scan3A_55 : i32
      %scan3A_57 = arith.constant 1 : i32
      %scan3A_58 = scf.for %scan3A_97 = %scan3A_54 to %scan3A_56 step %scan3A_57 iter_args(%scan3A_98 = %scan3A_53) -> (i32)  : i32 {
        %mul3A_99 = arith.constant 16 : i32
        %mul3A_100 = arith.muli %scan3A_97, %mul3A_99 : i32
        %get3A = arith.index_cast %mul3A_100 : i32 to index
        %get3A_101 = tpu.vector_load %arg5[%get3A] {strides = array<i32>} : memref<2048xf32, #tpu.memory_space<vmem>>, vector<16xf32>,
        %jit3A = arith.constant -3.500000e+00 : f32
        %jit3A_102 = arith.constant 3.500000e+00 : f32
        %max3A = vector.broadcast %jit3A : f32 to vector<16xf32>
        %max3A_103 = arith.maximumf %max3A, %get3A_101 : vector<16xf32>
        %min3A = vector.broadcast %jit3A_102 : f32 to vector<16xf32>
        %min3A_104 = arith.minimumf %min3A, %max3A_103 : vector<16xf32>
        %add3A_105 = arith.constant 3.500000e+00 : f32
        %add3A_106 = vector.broadcast %add3A_105 : f32 to vector<16xf32>
        %add3A_107 = arith.addf %min3A_104, %add3A_106 : vector<16xf32>
        %div3A = arith.constant 7.000000e+00 : f32
        %div3A_108 = vector.broadcast %div3A : f32 to vector<16xf32>
        %div3A_109 = arith.divf %add3A_107, %div3A_108 : vector<16xf32>
        %mul3A_110 = arith.constant 1.280000e+02 : f32
        %mul3A_111 = vector.broadcast %mul3A_110 : f32 to vector<16xf32>
        %mul3A_112 = arith.mulf %div3A_109, %mul3A_111 : vector<16xf32>
        %convert_element_type3A = arith.fptosi %mul3A_112 : vector<16xf32> to vector<16xi32>
        %jit3A_113 = arith.constant 0 : i32
        %jit3A_114 = arith.constant 127 : i32
        %max3A_115 = vector.broadcast %jit3A_113 : i32 to vector<16xi32>
        %max3A_116 = arith.maxsi %max3A_115, %convert_element_type3A : vector<16xi32>
        %min3A_117 = vector.broadcast %jit3A_114 : i32 to vector<16xi32>
        %min3A_118 = arith.minsi %min3A_117, %max3A_116 : vector<16xi32>
        %ge3A = arith.constant 32 : i32
        %ge3A_119 = vector.broadcast %ge3A : i32 to vector<16xi32>
        %ge3A_120 = arith.cmpi sge, %min3A_118, %ge3A_119 : vector<16xi32>
        %lt3A = arith.constant 64 : i32
        %lt3A_121 = vector.broadcast %lt3A : i32 to vector<16xi32>
        %lt3A_122 = arith.cmpi slt, %min3A_118, %lt3A_121 : vector<16xi32>
        %and3A = arith.andi %ge3A_120, %lt3A_122 : vector<16xi1>
        %sub3A = arith.constant 32 : i32
        %sub3A_123 = vector.broadcast %sub3A : i32 to vector<16xi32>
        %sub3A_124 = arith.subi %min3A_118, %sub3A_123 : vector<16xi32>
        %jit3A_125 = arith.constant 0 : i32
        %broadcast_in_dim3A_126 = vector.broadcast %jit3A_125 : i32 to vector<16xi32>
        %select_n3A = arith.select %and3A, %sub3A_124, %broadcast_in_dim3A_126 : vector<16xi1>, vector<16xi32>
        %mul3A_127 = arith.constant 2048 : i32
        %mul3A_128 = vector.broadcast %mul3A_127 : i32 to vector<16xi32>
        %mul3A_129 = arith.muli %select_n3A, %mul3A_128 : vector<16xi32>
        %mul3A_130 = arith.constant 16 : i32
        %mul3A_131 = arith.muli %scan3A_97, %mul3A_130 : i32
        %add3A_132 = vector.broadcast %mul3A_131 : i32 to vector<16xi32>
        %add3A_133 = arith.addi %mul3A_129, %add3A_132 : vector<16xi32>
        %add3A_134 = arith.addi %add3A_133, %iota3A : vector<16xi32>
        tpu.vector_store_idx %arg4[%add3A_134], %broadcast_in_dim3A_3 masked %and3A : memref<65536xf32, #tpu.memory_space<vmem>>[vector<16xi32>], vector<16xf32>, vector<16xi1>
        %scan3A_135 = arith.constant 0 : i32
        scf.yield %scan3A_135 : i32
      }
      %scan3A_59 = arith.constant 128 : i32
      %scan3A_60 = arith.constant 0 : i32
      %scan3A_61 = arith.constant 0 : i32
      %scan3A_62 = arith.constant 128 : i32
      %scan3A_63 = arith.addi %scan3A_61, %scan3A_62 : i32
      %scan3A_64 = arith.constant 1 : i32
      %scan3A_65 = scf.for %scan3A_97 = %scan3A_61 to %scan3A_63 step %scan3A_64 iter_args(%scan3A_98 = %scan3A_60) -> (i32)  : i32 {
        %mul3A_99 = arith.constant 16 : i32
        %mul3A_100 = arith.muli %scan3A_97, %mul3A_99 : i32
        %get3A = arith.index_cast %mul3A_100 : i32 to index
        %get3A_101 = tpu.vector_load %arg5[%get3A] {strides = array<i32>} : memref<2048xf32, #tpu.memory_space<vmem>>, vector<16xf32>,
        %jit3A = arith.constant -3.500000e+00 : f32
        %jit3A_102 = arith.constant 3.500000e+00 : f32
        %max3A = vector.broadcast %jit3A : f32 to vector<16xf32>
        %max3A_103 = arith.maximumf %max3A, %get3A_101 : vector<16xf32>
        %min3A = vector.broadcast %jit3A_102 : f32 to vector<16xf32>
        %min3A_104 = arith.minimumf %min3A, %max3A_103 : vector<16xf32>
        %add3A_105 = arith.constant 3.500000e+00 : f32
        %add3A_106 = vector.broadcast %add3A_105 : f32 to vector<16xf32>
        %add3A_107 = arith.addf %min3A_104, %add3A_106 : vector<16xf32>
        %div3A = arith.constant 7.000000e+00 : f32
        %div3A_108 = vector.broadcast %div3A : f32 to vector<16xf32>
        %div3A_109 = arith.divf %add3A_107, %div3A_108 : vector<16xf32>
        %mul3A_110 = arith.constant 1.280000e+02 : f32
        %mul3A_111 = vector.broadcast %mul3A_110 : f32 to vector<16xf32>
        %mul3A_112 = arith.mulf %div3A_109, %mul3A_111 : vector<16xf32>
        %convert_element_type3A = arith.fptosi %mul3A_112 : vector<16xf32> to vector<16xi32>
        %jit3A_113 = arith.constant 0 : i32
        %jit3A_114 = arith.constant 127 : i32
        %max3A_115 = vector.broadcast %jit3A_113 : i32 to vector<16xi32>
        %max3A_116 = arith.maxsi %max3A_115, %convert_element_type3A : vector<16xi32>
        %min3A_117 = vector.broadcast %jit3A_114 : i32 to vector<16xi32>
        %min3A_118 = arith.minsi %min3A_117, %max3A_116 : vector<16xi32>
        %ge3A = arith.constant 64 : i32
        %ge3A_119 = vector.broadcast %ge3A : i32 to vector<16xi32>
        %ge3A_120 = arith.cmpi sge, %min3A_118, %ge3A_119 : vector<16xi32>
        %lt3A = arith.constant 96 : i32
        %lt3A_121 = vector.broadcast %lt3A : i32 to vector<16xi32>
        %lt3A_122 = arith.cmpi slt, %min3A_118, %lt3A_121 : vector<16xi32>
        %and3A = arith.andi %ge3A_120, %lt3A_122 : vector<16xi1>
        %sub3A = arith.constant 64 : i32
        %sub3A_123 = vector.broadcast %sub3A : i32 to vector<16xi32>
        %sub3A_124 = arith.subi %min3A_118, %sub3A_123 : vector<16xi32>
        %jit3A_125 = arith.constant 0 : i32
        %broadcast_in_dim3A_126 = vector.broadcast %jit3A_125 : i32 to vector<16xi32>
        %select_n3A = arith.select %and3A, %sub3A_124, %broadcast_in_dim3A_126 : vector<16xi1>, vector<16xi32>
        %mul3A_127 = arith.constant 2048 : i32
        %mul3A_128 = vector.broadcast %mul3A_127 : i32 to vector<16xi32>
        %mul3A_129 = arith.muli %select_n3A, %mul3A_128 : vector<16xi32>
        %mul3A_130 = arith.constant 16 : i32
        %mul3A_131 = arith.muli %scan3A_97, %mul3A_130 : i32
        %add3A_132 = vector.broadcast %mul3A_131 : i32 to vector<16xi32>
        %add3A_133 = arith.addi %mul3A_129, %add3A_132 : vector<16xi32>
        %add3A_134 = arith.addi %add3A_133, %iota3A : vector<16xi32>
        tpu.vector_store_idx %arg4[%add3A_134], %broadcast_in_dim3A_1 masked %and3A : memref<65536xf32, #tpu.memory_space<vmem>>[vector<16xi32>], vector<16xf32>, vector<16xi1>
        %scan3A_135 = arith.constant 0 : i32
        scf.yield %scan3A_135 : i32
      }
      %scan3A_66 = arith.constant 128 : i32
      %mul3A_67 = arith.constant 262144 : i32
      %mul3A_68 = arith.muli %add3A_21, %mul3A_67 : i32
      %add3A_69 = arith.constant 131072 : i32
      %add3A_70 = arith.addi %mul3A_68, %add3A_69 : i32
      "tpu.region"() ({
        %run_scoped3A = tpu.sem_alloc : memref<!tpu.dma_semaphore, #tpu.memory_space<semaphore_mem>>
        %dma_start3A = tpu.memref_slice %arg3[%add3A_70] : memref<16777216xf32, #tpu.memory_space<hbm>> -> memref<65536xf32, #tpu.memory_space<hbm>>
        %dma_start3A_97 = tpu.memref_slice %arg3[%add3A_70] : memref<16777216xf32, #tpu.memory_space<hbm>> -> memref<65536xf32, #tpu.memory_space<hbm>>
        tpu.enqueue_dma source(%arg4 : memref<65536xf32, #tpu.memory_space<vmem>>) target(%dma_start3A_97 : memref<65536xf32, #tpu.memory_space<hbm>>) target_semaphore(%run_scoped3A : memref<!tpu.dma_semaphore, #tpu.memory_space<semaphore_mem>>)
        %dma_wait3A = tpu.memref_slice %arg3[%add3A_70] : memref<16777216xf32, #tpu.memory_space<hbm>> -> memref<65536xf32, #tpu.memory_space<hbm>>
        %dma_wait3A_98 = tpu.memref_slice %arg3[%add3A_70] : memref<16777216xf32, #tpu.memory_space<hbm>> -> memref<65536xf32, #tpu.memory_space<hbm>>
        tpu.wait_dma2 semaphore(%run_scoped3A : memref<!tpu.dma_semaphore, #tpu.memory_space<semaphore_mem>>) src(%arg4 : memref<65536xf32, #tpu.memory_space<vmem>>) dst(%dma_wait3A_98 : memref<65536xf32, #tpu.memory_space<hbm>>)
        tpu.yield
      }) : () -> ()
      %scan3A_71 = arith.constant 0 : i32
      %scan3A_72 = arith.constant 0 : i32
      %scan3A_73 = arith.constant 128 : i32
      %scan3A_74 = arith.addi %scan3A_72, %scan3A_73 : i32
      %scan3A_75 = arith.constant 1 : i32
      %scan3A_76 = scf.for %scan3A_97 = %scan3A_72 to %scan3A_74 step %scan3A_75 iter_args(%scan3A_98 = %scan3A_71) -> (i32)  : i32 {
        %mul3A_99 = arith.constant 16 : i32
        %mul3A_100 = arith.muli %scan3A_97, %mul3A_99 : i32
        %get3A = arith.index_cast %mul3A_100 : i32 to index
        %get3A_101 = tpu.vector_load %arg5[%get3A] {strides = array<i32>} : memref<2048xf32, #tpu.memory_space<vmem>>, vector<16xf32>,
        %jit3A = arith.constant -3.500000e+00 : f32
        %jit3A_102 = arith.constant 3.500000e+00 : f32
        %max3A = vector.broadcast %jit3A : f32 to vector<16xf32>
        %max3A_103 = arith.maximumf %max3A, %get3A_101 : vector<16xf32>
        %min3A = vector.broadcast %jit3A_102 : f32 to vector<16xf32>
        %min3A_104 = arith.minimumf %min3A, %max3A_103 : vector<16xf32>
        %add3A_105 = arith.constant 3.500000e+00 : f32
        %add3A_106 = vector.broadcast %add3A_105 : f32 to vector<16xf32>
        %add3A_107 = arith.addf %min3A_104, %add3A_106 : vector<16xf32>
        %div3A = arith.constant 7.000000e+00 : f32
        %div3A_108 = vector.broadcast %div3A : f32 to vector<16xf32>
        %div3A_109 = arith.divf %add3A_107, %div3A_108 : vector<16xf32>
        %mul3A_110 = arith.constant 1.280000e+02 : f32
        %mul3A_111 = vector.broadcast %mul3A_110 : f32 to vector<16xf32>
        %mul3A_112 = arith.mulf %div3A_109, %mul3A_111 : vector<16xf32>
        %convert_element_type3A = arith.fptosi %mul3A_112 : vector<16xf32> to vector<16xi32>
        %jit3A_113 = arith.constant 0 : i32
        %jit3A_114 = arith.constant 127 : i32
        %max3A_115 = vector.broadcast %jit3A_113 : i32 to vector<16xi32>
        %max3A_116 = arith.maxsi %max3A_115, %convert_element_type3A : vector<16xi32>
        %min3A_117 = vector.broadcast %jit3A_114 : i32 to vector<16xi32>
        %min3A_118 = arith.minsi %min3A_117, %max3A_116 : vector<16xi32>
        %ge3A = arith.constant 64 : i32
        %ge3A_119 = vector.broadcast %ge3A : i32 to vector<16xi32>
        %ge3A_120 = arith.cmpi sge, %min3A_118, %ge3A_119 : vector<16xi32>
        %lt3A = arith.constant 96 : i32
        %lt3A_121 = vector.broadcast %lt3A : i32 to vector<16xi32>
        %lt3A_122 = arith.cmpi slt, %min3A_118, %lt3A_121 : vector<16xi32>
        %and3A = arith.andi %ge3A_120, %lt3A_122 : vector<16xi1>
        %sub3A = arith.constant 64 : i32
        %sub3A_123 = vector.broadcast %sub3A : i32 to vector<16xi32>
        %sub3A_124 = arith.subi %min3A_118, %sub3A_123 : vector<16xi32>
        %jit3A_125 = arith.constant 0 : i32
        %broadcast_in_dim3A_126 = vector.broadcast %jit3A_125 : i32 to vector<16xi32>
        %select_n3A = arith.select %and3A, %sub3A_124, %broadcast_in_dim3A_126 : vector<16xi1>, vector<16xi32>
        %mul3A_127 = arith.constant 2048 : i32
        %mul3A_128 = vector.broadcast %mul3A_127 : i32 to vector<16xi32>
        %mul3A_129 = arith.muli %select_n3A, %mul3A_128 : vector<16xi32>
        %mul3A_130 = arith.constant 16 : i32
        %mul3A_131 = arith.muli %scan3A_97, %mul3A_130 : i32
        %add3A_132 = vector.broadcast %mul3A_131 : i32 to vector<16xi32>
        %add3A_133 = arith.addi %mul3A_129, %add3A_132 : vector<16xi32>
        %add3A_134 = arith.addi %add3A_133, %iota3A : vector<16xi32>
        tpu.vector_store_idx %arg4[%add3A_134], %broadcast_in_dim3A_3 masked %and3A : memref<65536xf32, #tpu.memory_space<vmem>>[vector<16xi32>], vector<16xf32>, vector<16xi1>
        %scan3A_135 = arith.constant 0 : i32
        scf.yield %scan3A_135 : i32
      }
      %scan3A_77 = arith.constant 128 : i32
      %scan3A_78 = arith.constant 0 : i32
      %scan3A_79 = arith.constant 0 : i32
      %scan3A_80 = arith.constant 128 : i32
      %scan3A_81 = arith.addi %scan3A_79, %scan3A_80 : i32
      %scan3A_82 = arith.constant 1 : i32
      %scan3A_83 = scf.for %scan3A_97 = %scan3A_79 to %scan3A_81 step %scan3A_82 iter_args(%scan3A_98 = %scan3A_78) -> (i32)  : i32 {
        %mul3A_99 = arith.constant 16 : i32
        %mul3A_100 = arith.muli %scan3A_97, %mul3A_99 : i32
        %get3A = arith.index_cast %mul3A_100 : i32 to index
        %get3A_101 = tpu.vector_load %arg5[%get3A] {strides = array<i32>} : memref<2048xf32, #tpu.memory_space<vmem>>, vector<16xf32>,
        %jit3A = arith.constant -3.500000e+00 : f32
        %jit3A_102 = arith.constant 3.500000e+00 : f32
        %max3A = vector.broadcast %jit3A : f32 to vector<16xf32>
        %max3A_103 = arith.maximumf %max3A, %get3A_101 : vector<16xf32>
        %min3A = vector.broadcast %jit3A_102 : f32 to vector<16xf32>
        %min3A_104 = arith.minimumf %min3A, %max3A_103 : vector<16xf32>
        %add3A_105 = arith.constant 3.500000e+00 : f32
        %add3A_106 = vector.broadcast %add3A_105 : f32 to vector<16xf32>
        %add3A_107 = arith.addf %min3A_104, %add3A_106 : vector<16xf32>
        %div3A = arith.constant 7.000000e+00 : f32
        %div3A_108 = vector.broadcast %div3A : f32 to vector<16xf32>
        %div3A_109 = arith.divf %add3A_107, %div3A_108 : vector<16xf32>
        %mul3A_110 = arith.constant 1.280000e+02 : f32
        %mul3A_111 = vector.broadcast %mul3A_110 : f32 to vector<16xf32>
        %mul3A_112 = arith.mulf %div3A_109, %mul3A_111 : vector<16xf32>
        %convert_element_type3A = arith.fptosi %mul3A_112 : vector<16xf32> to vector<16xi32>
        %jit3A_113 = arith.constant 0 : i32
        %jit3A_114 = arith.constant 127 : i32
        %max3A_115 = vector.broadcast %jit3A_113 : i32 to vector<16xi32>
        %max3A_116 = arith.maxsi %max3A_115, %convert_element_type3A : vector<16xi32>
        %min3A_117 = vector.broadcast %jit3A_114 : i32 to vector<16xi32>
        %min3A_118 = arith.minsi %min3A_117, %max3A_116 : vector<16xi32>
        %ge3A = arith.constant 96 : i32
        %ge3A_119 = vector.broadcast %ge3A : i32 to vector<16xi32>
        %ge3A_120 = arith.cmpi sge, %min3A_118, %ge3A_119 : vector<16xi32>
        %lt3A = arith.constant 128 : i32
        %lt3A_121 = vector.broadcast %lt3A : i32 to vector<16xi32>
        %lt3A_122 = arith.cmpi slt, %min3A_118, %lt3A_121 : vector<16xi32>
        %and3A = arith.andi %ge3A_120, %lt3A_122 : vector<16xi1>
        %sub3A = arith.constant 96 : i32
        %sub3A_123 = vector.broadcast %sub3A : i32 to vector<16xi32>
        %sub3A_124 = arith.subi %min3A_118, %sub3A_123 : vector<16xi32>
        %jit3A_125 = arith.constant 0 : i32
        %broadcast_in_dim3A_126 = vector.broadcast %jit3A_125 : i32 to vector<16xi32>
        %select_n3A = arith.select %and3A, %sub3A_124, %broadcast_in_dim3A_126 : vector<16xi1>, vector<16xi32>
        %mul3A_127 = arith.constant 2048 : i32
        %mul3A_128 = vector.broadcast %mul3A_127 : i32 to vector<16xi32>
        %mul3A_129 = arith.muli %select_n3A, %mul3A_128 : vector<16xi32>
        %mul3A_130 = arith.constant 16 : i32
        %mul3A_131 = arith.muli %scan3A_97, %mul3A_130 : i32
        %add3A_132 = vector.broadcast %mul3A_131 : i32 to vector<16xi32>
        %add3A_133 = arith.addi %mul3A_129, %add3A_132 : vector<16xi32>
        %add3A_134 = arith.addi %add3A_133, %iota3A : vector<16xi32>
        tpu.vector_store_idx %arg4[%add3A_134], %broadcast_in_dim3A_1 masked %and3A : memref<65536xf32, #tpu.memory_space<vmem>>[vector<16xi32>], vector<16xf32>, vector<16xi1>
        %scan3A_135 = arith.constant 0 : i32
        scf.yield %scan3A_135 : i32
      }
      %scan3A_84 = arith.constant 128 : i32
      %mul3A_85 = arith.constant 262144 : i32
      %mul3A_86 = arith.muli %add3A_21, %mul3A_85 : i32
      %add3A_87 = arith.constant 196608 : i32
      %add3A_88 = arith.addi %mul3A_86, %add3A_87 : i32
      "tpu.region"() ({
        %run_scoped3A = tpu.sem_alloc : memref<!tpu.dma_semaphore, #tpu.memory_space<semaphore_mem>>
        %dma_start3A = tpu.memref_slice %arg3[%add3A_88] : memref<16777216xf32, #tpu.memory_space<hbm>> -> memref<65536xf32, #tpu.memory_space<hbm>>
        %dma_start3A_97 = tpu.memref_slice %arg3[%add3A_88] : memref<16777216xf32, #tpu.memory_space<hbm>> -> memref<65536xf32, #tpu.memory_space<hbm>>
        tpu.enqueue_dma source(%arg4 : memref<65536xf32, #tpu.memory_space<vmem>>) target(%dma_start3A_97 : memref<65536xf32, #tpu.memory_space<hbm>>) target_semaphore(%run_scoped3A : memref<!tpu.dma_semaphore, #tpu.memory_space<semaphore_mem>>)
        %dma_wait3A = tpu.memref_slice %arg3[%add3A_88] : memref<16777216xf32, #tpu.memory_space<hbm>> -> memref<65536xf32, #tpu.memory_space<hbm>>
        %dma_wait3A_98 = tpu.memref_slice %arg3[%add3A_88] : memref<16777216xf32, #tpu.memory_space<hbm>> -> memref<65536xf32, #tpu.memory_space<hbm>>
        tpu.wait_dma2 semaphore(%run_scoped3A : memref<!tpu.dma_semaphore, #tpu.memory_space<semaphore_mem>>) src(%arg4 : memref<65536xf32, #tpu.memory_space<vmem>>) dst(%dma_wait3A_98 : memref<65536xf32, #tpu.memory_space<hbm>>)
        tpu.yield
      }) : () -> ()
      %scan3A_89 = arith.constant 0 : i32
      %scan3A_90 = arith.constant 0 : i32
      %scan3A_91 = arith.constant 128 : i32
      %scan3A_92 = arith.addi %scan3A_90, %scan3A_91 : i32
      %scan3A_93 = arith.constant 1 : i32
      %scan3A_94 = scf.for %scan3A_97 = %scan3A_90 to %scan3A_92 step %scan3A_93 iter_args(%scan3A_98 = %scan3A_89) -> (i32)  : i32 {
        %mul3A_99 = arith.constant 16 : i32
        %mul3A_100 = arith.muli %scan3A_97, %mul3A_99 : i32
        %get3A = arith.index_cast %mul3A_100 : i32 to index
        %get3A_101 = tpu.vector_load %arg5[%get3A] {strides = array<i32>} : memref<2048xf32, #tpu.memory_space<vmem>>, vector<16xf32>,
        %jit3A = arith.constant -3.500000e+00 : f32
        %jit3A_102 = arith.constant 3.500000e+00 : f32
        %max3A = vector.broadcast %jit3A : f32 to vector<16xf32>
        %max3A_103 = arith.maximumf %max3A, %get3A_101 : vector<16xf32>
        %min3A = vector.broadcast %jit3A_102 : f32 to vector<16xf32>
        %min3A_104 = arith.minimumf %min3A, %max3A_103 : vector<16xf32>
        %add3A_105 = arith.constant 3.500000e+00 : f32
        %add3A_106 = vector.broadcast %add3A_105 : f32 to vector<16xf32>
        %add3A_107 = arith.addf %min3A_104, %add3A_106 : vector<16xf32>
        %div3A = arith.constant 7.000000e+00 : f32
        %div3A_108 = vector.broadcast %div3A : f32 to vector<16xf32>
        %div3A_109 = arith.divf %add3A_107, %div3A_108 : vector<16xf32>
        %mul3A_110 = arith.constant 1.280000e+02 : f32
        %mul3A_111 = vector.broadcast %mul3A_110 : f32 to vector<16xf32>
        %mul3A_112 = arith.mulf %div3A_109, %mul3A_111 : vector<16xf32>
        %convert_element_type3A = arith.fptosi %mul3A_112 : vector<16xf32> to vector<16xi32>
        %jit3A_113 = arith.constant 0 : i32
        %jit3A_114 = arith.constant 127 : i32
        %max3A_115 = vector.broadcast %jit3A_113 : i32 to vector<16xi32>
        %max3A_116 = arith.maxsi %max3A_115, %convert_element_type3A : vector<16xi32>
        %min3A_117 = vector.broadcast %jit3A_114 : i32 to vector<16xi32>
        %min3A_118 = arith.minsi %min3A_117, %max3A_116 : vector<16xi32>
        %ge3A = arith.constant 96 : i32
        %ge3A_119 = vector.broadcast %ge3A : i32 to vector<16xi32>
        %ge3A_120 = arith.cmpi sge, %min3A_118, %ge3A_119 : vector<16xi32>
        %lt3A = arith.constant 128 : i32
        %lt3A_121 = vector.broadcast %lt3A : i32 to vector<16xi32>
        %lt3A_122 = arith.cmpi slt, %min3A_118, %lt3A_121 : vector<16xi32>
        %and3A = arith.andi %ge3A_120, %lt3A_122 : vector<16xi1>
        %sub3A = arith.constant 96 : i32
        %sub3A_123 = vector.broadcast %sub3A : i32 to vector<16xi32>
        %sub3A_124 = arith.subi %min3A_118, %sub3A_123 : vector<16xi32>
        %jit3A_125 = arith.constant 0 : i32
        %broadcast_in_dim3A_126 = vector.broadcast %jit3A_125 : i32 to vector<16xi32>
        %select_n3A = arith.select %and3A, %sub3A_124, %broadcast_in_dim3A_126 : vector<16xi1>, vector<16xi32>
        %mul3A_127 = arith.constant 2048 : i32
        %mul3A_128 = vector.broadcast %mul3A_127 : i32 to vector<16xi32>
        %mul3A_129 = arith.muli %select_n3A, %mul3A_128 : vector<16xi32>
        %mul3A_130 = arith.constant 16 : i32
        %mul3A_131 = arith.muli %scan3A_97, %mul3A_130 : i32
        %add3A_132 = vector.broadcast %mul3A_131 : i32 to vector<16xi32>
        %add3A_133 = arith.addi %mul3A_129, %add3A_132 : vector<16xi32>
        %add3A_134 = arith.addi %add3A_133, %iota3A : vector<16xi32>
        tpu.vector_store_idx %arg4[%add3A_134], %broadcast_in_dim3A_3 masked %and3A : memref<65536xf32, #tpu.memory_space<vmem>>[vector<16xi32>], vector<16xf32>, vector<16xi1>
        %scan3A_135 = arith.constant 0 : i32
        scf.yield %scan3A_135 : i32
      }
      %scan3A_95 = arith.constant 128 : i32
      %scan3A_96 = arith.constant 0 : i32
      scf.yield %scan3A_96 : i32
    }
    %scan3A_16 = arith.constant 2 : i32
    return
  }
}

module attributes {stable_mosaic.version = 14 : i64} {
  func.func @_tc_kernel_body(%arg0: i32, %arg1: memref<8x2048xf32, #tpu.memory_space<vmem>>, %arg2: memref<8x1x128x2048xf32, #tpu.memory_space<vmem>>) attributes {dimension_semantics = [#tpu.dimension_semantics<arbitrary>], iteration_bounds = array<i64: 24>, scalar_prefetch = 0 : i64, scratch_operands = 0 : i64, tpu.core_type = #tpu.core_type<tc>, window_params = [{transform_indices = @transform_0, window_bounds = array<i64: 8, 2048>}, {transform_indices = @transform_1, window_bounds = array<i64: 8, 1, 128, 2048>}]} {
    %get3A = arith.constant 0 : index
    %get3A_0 = arith.constant 0 : index
    %get3A_1 = vector.load %arg1[%get3A, %get3A_0] : memref<8x2048xf32, #tpu.memory_space<vmem>>, vector<8x2048xf32>
    %jit3A = arith.constant -3.500000e+00 : f32
    %jit3A_2 = arith.constant 3.500000e+00 : f32
    %max3A = vector.broadcast %jit3A : f32 to vector<8x2048xf32>
    %max3A_3 = arith.maximumf %max3A, %get3A_1 : vector<8x2048xf32>
    %min3A = vector.broadcast %jit3A_2 : f32 to vector<8x2048xf32>
    %min3A_4 = arith.minimumf %min3A, %max3A_3 : vector<8x2048xf32>
    %add3A = arith.constant 3.500000e+00 : f32
    %add3A_5 = vector.broadcast %add3A : f32 to vector<8x2048xf32>
    %add3A_6 = arith.addf %min3A_4, %add3A_5 : vector<8x2048xf32>
    %div3A = arith.constant 7.000000e+00 : f32
    %div3A_7 = vector.broadcast %div3A : f32 to vector<8x2048xf32>
    %div3A_8 = arith.divf %add3A_6, %div3A_7 : vector<8x2048xf32>
    %mul3A = arith.constant 1.280000e+02 : f32
    %mul3A_9 = vector.broadcast %mul3A : f32 to vector<8x2048xf32>
    %mul3A_10 = arith.mulf %div3A_8, %mul3A_9 : vector<8x2048xf32>
    %convert_element_type3A = arith.fptosi %mul3A_10 : vector<8x2048xf32> to vector<8x2048xi32>
    %jit3A_11 = arith.constant 0 : i32
    %jit3A_12 = arith.constant 127 : i32
    %max3A_13 = vector.broadcast %jit3A_11 : i32 to vector<8x2048xi32>
    %max3A_14 = arith.maxsi %max3A_13, %convert_element_type3A : vector<8x2048xi32>
    %min3A_15 = vector.broadcast %jit3A_12 : i32 to vector<8x2048xi32>
    %min3A_16 = arith.minsi %min3A_15, %max3A_14 : vector<8x2048xi32>
    %iota3A = tpu.iota {dimensions = array<i32: 2>} : vector<8x1x128x2048xi32>
    %broadcast_in_dim3A = vector.shape_cast %min3A_16 : vector<8x2048xi32> to vector<8x1x1x2048xi32>
    %eq3A = vector.broadcast %broadcast_in_dim3A : vector<8x1x1x2048xi32> to vector<8x1x128x2048xi32>
    %eq3A_17 = arith.cmpi eq, %iota3A, %eq3A : vector<8x1x128x2048xi32>
    %convert_element_type3A_18 = arith.extui %eq3A_17 : vector<8x1x128x2048xi1> to vector<8x1x128x2048xi32>
    %convert_element_type3A_19 = arith.sitofp %convert_element_type3A_18 : vector<8x1x128x2048xi32> to vector<8x1x128x2048xf32>
    %swap3A = arith.constant 0 : index
    %swap3A_20 = arith.constant 0 : index
    %swap3A_21 = arith.constant 0 : index
    %swap3A_22 = arith.constant 0 : index
    %swap3A_23 = vector.load %arg2[%swap3A, %swap3A_20, %swap3A_21, %swap3A_22] : memref<8x1x128x2048xf32, #tpu.memory_space<vmem>>, vector<8x1x128x2048xf32>
    tpu.vector_store %arg2[%swap3A, %swap3A_20, %swap3A_21, %swap3A_22], %convert_element_type3A_19 {strides = array<i32>} : memref<8x1x128x2048xf32, #tpu.memory_space<vmem>>, vector<8x1x128x2048xf32>,
    return
  }
  func.func @transform_0(%arg0: i32) -> (i32, i32) {
    %c0_i32 = arith.constant 0 : i32
    %c0_i32_0 = arith.constant 0 : i32
    return %arg0, %c0_i32 : i32, i32
  }
  func.func @transform_1(%arg0: i32) -> (i32, i32, i32, i32) {
    %c0_i32 = arith.constant 0 : i32
    %c0_i32_0 = arith.constant 0 : i32
    %c0_i32_1 = arith.constant 0 : i32
    %c0_i32_2 = arith.constant 0 : i32
    return %arg0, %c0_i32, %c0_i32_0, %c0_i32_1 : i32, i32, i32, i32
  }
}

</mosaic_0001>

<sc_bundles>
// kernel: kernel.4.cloned.1.call-start
scs
__scs_entry_jumppad:
0x0: {  	(pc) =	sbr.rel $0x88, $3  }
0x1: {  	(tag) =	ssettag $0x0;
	lr =	simm.s32 $0x1  }
0x2: {  	[smem:$0x3FA0] =	sst lr;
	_ =	strace $0xD0000000  }
0x3: {  	_ = 	snop  }
0x4: {  	_ = 	snop  }
0x5: {  	_ = 	snop  }
0x6: {  	_ = 	snop  }
0x7: {  	_ = 	snop  }
__scs_overlays_trampoline_lowered:
0x8: {  	[smem:$0x3FAF] =	sst s0  }
0x9: {  	[smem:$0x3FB0] =	sst s1  }
0xa: {  	[smem:$0x3FB1] =	sst s2  }
0xb: {  	[smem:$0x3FB2] =	sst s3  }
0xc: {  	[smem:$0x3FB3] =	sst s4  }
0xd: {  	[smem:$0x3FB4] =	sst s5  }
0xe: {  	[smem:$0x3FB5] =	sst s6  }
0xf: {  	[smem:$0x3FB6] =	sst s7  }
0x10: {  	[smem:$0x3FB7] =	sst s8  }
0x11: {  	[smem:$0x3FB8] =	sst s9;
	s0 =	simm.s32 @!p0 $0x0  }
0x12: {  	s1 =	sld [smem:$0x3F9E];
	s0 =	simm.s32 @p0 $0x1  }
0x13: {  	[smem:$0x3FB9] =	sst s0;
	s0 =	simm.s32 @!p1 $0x0  }
0x14: {  	s2 =	sld [smem:$0x3F9D];
	s0 =	simm.s32 @p1 $0x1  }
0x15: {  	[smem:$0x3FBA] =	sst s0;
	s0 =	simm.s32 @!p2 $0x0  }
0x16: {  	s3 =	sld [smem:$0x3FDB];
	s0 =	simm.s32 @p2 $0x1  }
0x17: {  	s4 =	simm.s32 $0x1BF5;
	[smem:$0x3FBC] =	sst s0  }
0x18: {  	s0 =	sld [smem:$0x3F9F];
	_ =	swait.ge [sflag:s4], $0x0  }
0x19: {  	s7 =	sld [smem:$0x3FA0]  }
0x1a: {  	s8 =	sadd.s32 $0xFFFFE003, lr  }
0x1b: {  	s9 =	sadd.s32 $0xFFFFFEF7, lr;
	s5 =	simm.s32 $0xFFFFFFFF;
	p2 =	slt.u32 s8, $0xFFFFF086  }
0x1c: {  	p1 =	slt.u32 s9, $0xF7A;
	s5 =	simm.s32 @!p2 $0x0  }
0x1d: {  	s5 =	simm.s32 @p1 $0x1;
	p0 =	seq.s32 s7, s2  }
0x1e: {  	s7 =	smul.u32 @!p0 $0xF7A, s2;
	p2 =	seq.s32 @!p0 s5, $0x0  }
0x1f: {  	s9 =	smul.u32 $0xF7A, s1;
	s8 =	simm.s32 @!p0 $0x1BF5;
	p2 =	por !p2, p0  }
0x20: {  	[sflag:s8] =	ssyncset.s32 @!p0 $0xFFFFF086;
	s6 =	sadd.s32 @!p0 s3, s7;
	s7 =	simm.s32 @!p0 $0x108  }
0x21: {  	s3 =	sadd.s32 s3, s9;
	s6 =	sadd.s32 @!p0 $0x88, s6;
	s7 =	simm.s32 @p2 $0x1082  }
0x22: {  	[simem:s7], [sflag:s8] =	dma.local @!p0 [hbm:s6], $0xF7A  }
0x23: {  	s9 =	sor.u32 $0xD0000000, s2;
	s6 =	simm.s32 $0x108;
	_ =	swait.ge @!p0 [sflag:s8], $0x0  }
0x24: {  	s3 =	sadd.s32 $0x88, s3;
	s6 =	simm.s32 @!p1 $0x1082;
	[sflag:s4] =	ssyncset.s32 $0xFFFFF086  }
0x25: {  	[simem:s6], [sflag:s4] =	dma.local [hbm:s3], $0xF7A  }
0x26: {  	[smem:$0x3FA0] =	sst s1;
	(tag) =	ssettag s2;
	_ =	strace s9  }
0x27: {  	s1 =	sld [smem:$0x3FB0]  }
0x28: {  	s2 =	sld [smem:$0x3FB1]  }
0x29: {  	s4 =	sld [smem:$0x3FB3]  }
0x2a: {  	p0 =	seq.s32 s5, $0x0;
	s5 =	sld [smem:$0x3FB4]  }
0x2b: {  	s6 =	sld [smem:$0x3FB5]  }
0x2c: {  	s7 =	sld [smem:$0x3FB6]  }
0x2d: {  	s3 =	simm.s32 $0x108;
	s8 =	sld [smem:$0x3FB7]  }
0x2e: {  	s3 =	simm.s32 @!p0 $0x1082;
	s9 =	sld [smem:$0x3FB8]  }
0x2f: {  	lr =	sadd.s32 s0, s3;
	s0 =	sld [smem:$0x3FAF]  }
0x30: {  	s3 =	sld [smem:$0x3FB2]  }
0x31: {  	[smem:$0x3FBB] =	sst s10  }
0x32: {  	s10 =	sld [smem:$0x3FB9];
	_ =	sdelay $0x3  }
0x33: {  	p0 =	seq.s32 s10, $0x1;
	s10 =	sld [smem:$0x3FBB];
	_ =	sdelay $0x3  }
0x34: {  	[smem:$0x3FBB] =	sst s10  }
0x35: {  	s10 =	sld [smem:$0x3FBA];
	_ =	sdelay $0x3  }
0x36: {  	p1 =	seq.s32 s10, $0x1;
	s10 =	sld [smem:$0x3FBB];
	_ =	sdelay $0x3  }
0x37: {  	[smem:$0x3FBB] =	sst s10  }
0x38: {  	s10 =	sld [smem:$0x3FBC]  }
0x39: {  	_ = 	snop;
	(pc) =	sbr.ind lr, $3  }
0x3a: {  	_ = 	snop  }
0x3b: {  	_ = 	snop  }
0x3c: {  	p2 =	seq.s32 s10, $0x1;
	s10 =	sld [smem:$0x3FBB]  }
0x3d: {  	_ =	shalt  }
0x3e: {  	_ =	shalt  }
0x3f: {  	_ =	shalt  }
0x40: {  	_ =	shalt  }
0x41: {  	_ =	shalt  }
0x42: {  	_ =	shalt  }
0x43: {  	_ =	shalt  }
0x44: {  	_ =	shalt  }
0x45: {  	_ =	shalt  }
0x46: {  	_ =	shalt  }
0x47: {  	_ =	shalt  }
0x48: {  	_ =	shalt  }
0x49: {  	_ =	shalt  }
0x4a: {  	_ =	shalt  }
0x4b: {  	_ =	shalt  }
0x4c: {  	_ =	shalt  }
0x4d: {  	_ =	shalt  }
0x4e: {  	_ =	shalt  }
0x4f: {  	_ =	shalt  }
0x50: {  	_ =	shalt  }
0x51: {  	_ =	shalt  }
0x52: {  	_ =	shalt  }
0x53: {  	_ =	shalt  }
0x54: {  	_ =	shalt  }
0x55: {  	_ =	shalt  }
0x56: {  	_ =	shalt  }
0x57: {  	_ =	shalt  }
0x58: {  	_ =	shalt  }
0x59: {  	_ =	shalt  }
0x5a: {  	_ =	shalt  }
0x5b: {  	_ =	shalt  }
0x5c: {  	_ =	shalt  }
0x5d: {  	_ =	shalt  }
0x5e: {  	_ =	shalt  }
0x5f: {  	_ =	shalt  }
0x60: {  	_ =	shalt  }
0x61: {  	_ =	shalt  }
0x62: {  	_ =	shalt  }
0x63: {  	_ =	shalt  }
0x64: {  	_ =	shalt  }
0x65: {  	_ =	shalt  }
0x66: {  	_ =	shalt  }
0x67: {  	_ =	shalt  }
0x68: {  	_ =	shalt  }
0x69: {  	_ =	shalt  }
0x6a: {  	_ =	shalt  }
0x6b: {  	_ =	shalt  }
0x6c: {  	_ =	shalt  }
0x6d: {  	_ =	shalt  }
0x6e: {  	_ =	shalt  }
0x6f: {  	_ =	shalt  }
0x70: {  	_ =	shalt  }
0x71: {  	_ =	shalt  }
0x72: {  	_ =	shalt  }
0x73: {  	_ =	shalt  }
0x74: {  	_ =	shalt  }
0x75: {  	_ =	shalt  }
0x76: {  	_ =	shalt  }
0x77: {  	_ =	shalt  }
0x78: {  	_ =	shalt  }
0x79: {  	_ =	shalt  }
0x7a: {  	_ =	shalt  }
0x7b: {  	_ =	shalt  }
0x7c: {  	_ =	shalt  }
0x7d: {  	_ =	shalt  }
0x7e: {  	_ =	shalt  }
0x7f: {  	_ =	shalt  }
0x80: {  	_ =	shalt  }
0x81: {  	_ =	shalt  }
0x82: {  	_ =	shalt  }
0x83: {  	_ =	shalt  }
0x84: {  	_ =	shalt  }
0x85: {  	_ =	shalt  }
0x86: {  	_ =	shalt  }
0x87: {  	_ =	shalt  }
.Lfunc_end0:
.L_simem_size_0:
called_computation_lowered:
.L_overlay_start_0:
0x88: {  	s2 =	sld [smem:$0x3FD9]  }
0x89: {  	s3 =	sld [smem:$0x3FFE];
	_ =	sdelay $0x1  }
0x8a: {  	s1 =	srdreg.scid  }
0x8b: {  	s0 =	sand.u32 $0x1, s1  }
0x8c: {  	s14 =	sshll.u32 s0, $0xA;
	s2 =	sadd.s32 s3, s2  }
0x8d: {  	s2 =	sadd.s32 s2, s14  }
0x8e: {  	[smem:$0x3FC7] =	sst s2  }
0x8f: {  	_ = 	snop  }
0x90: {  	s2 =	sld [smem:$0x3FD0];
	_ =	sdelay $0x2  }
0x91: {  	s15 =	simm.s32 $0xA;
	s4 =	simm.s32 $0x10  }
0x92: {  	[smem:s4], [sflag:s15] =	dma.local [hbm:s2], $0x1  }
0x93: {  	_ =	swait.eq [sflag:s15], $0x1  }
0x94: {  	[sflag:s15] =	ssyncset.done $0x0  }
0x95: {  	[sflag:s15] =	ssyncadd.s32 $0xFFFFFFFF  }
0x96: {  	s16 =	sld [smem:$0x11];
	(tm) =	ssettm $0x1  }
0x97: {  	s17 =	sld [smem:$0x3FFB];
	_ =	sdelay $0x3  }
0x98: {  	_ =	strace s17  }
0x99: {  	s3 =	sld [smem:$0x3FFC];
	_ =	sdelay $0x3  }
0x9a: {  	_ =	strace s3  }
0x9b: {  	s3 =	sld [smem:$0x3FFD];
	_ =	sdelay $0x3  }
0x9c: {  	_ =	strace s3  }
0x9d: {  	_ =	strace $0x8FFFFFFF  }
0x9e: {  	s18 =	sld [smem:$0x3FDB];
	_ =	sdelay $0x1  }
0x9f: {  	s19 =	simm.s32 $_scs_section_size  }
0xa0: {  	s5 =	simm.s32 $_size__tile_overlayer_lowered;
	s6 =	simm.s32 $_tile_overlayer_lowered  }
0xa1: {  	s22 =	simm.s32 $0x1BFF;
	s21 =	sshll.u32 s6, $0x1;
	s3 =	sadd.s32 s19, s18  }
0xa2: {  	s7 =	simm.s32 $0x0;
	s20 =	sshll.u32 s5, $0x1;
	s5 =	sadd.s32 s21, s3  }
0xa3: {  	[timem:s7], [sflag:s22] =	dma.local [hbm:s5], s20  }
0xa4: {  	_ =	swait.ge [sflag:s22], s20  }
0xa5: {  	s4 =	ssub.s32 $0x0, s20;
	[sflag:s22] =	ssyncset.done $0x0  }
0xa6: {  	[sflag:s22] =	ssyncadd.s32 s4;
	_ =	sdelay $0x1  }
0xa7: {  	s23 =	simm.s32 $0x1B8B  }
0xa8: {  	_ =	swait.ge [sflag:s23], $0x1  }
0xa9: {  	[sflag:s23] =	ssyncset.done $0x0  }
0xaa: {  	s25 =	simm.s32 $0x1B8E;
	s24 =	sld [smem:$0x3FFE];
	[sflag:s23] =	ssyncadd.s32 $0xFFFFFFFF  }
0xab: {  	s26 =	simm.s32 $execute0_lowered;
	[smem:$0x3FD2] =	sst s25  }
0xac: {  	s5 =	sshll.u32 s26, $0x1;
	_ =	strace $0x80000046;
	[dreg:$0x1] =	wrdreg $0xFFFFFFFF  }
0xad: {  	s28 =	simm.s32 $_size_execute0_lowered;
	s3 =	sadd.s32 s3, s5;
	[dreg:$0x0] =	wrdreg $0x0  }
0xae: {  	s5 =	sshll.u32 s28, $0x1;
	[dreg:$0x2] =	wrdreg s3  }
0xaf: {  	[dreg:$0x3] =	wrdreg s5  }
0xb0: {  	[dreg:$0x4] =	wrdreg $0xC0  }
0xb1: {  	_ =	task [dreg:s7], $0x5FFFF  }
0xb2: {  	[dreg:$0x1] =	wrdreg $0xFFFFFFFF  }
0xb3: {  	[dreg:$0x0] =	wrdreg $0x60  }
0xb4: {  	[dreg:$0x2] =	wrdreg s16  }
0xb5: {  	[dreg:$0x3] =	wrdreg s24  }
0xb6: {  	[dreg:$0x4] =	wrdreg $0x9  }
0xb7: {  	_ =	task.clear_ibuf [dreg:s7], $0x5FFFF;
	_ =	strace $0x90000046  }
0xb8: {  	s29 =	simm.s32 $0x9;
	_ =	strace $0x80000048  }
0xb9: {  	_ =	swait.ge [sflag:s29], $0x1  }
0xba: {  	[sflag:s29] =	ssyncadd.s32 $0xFFFFFFFF  }
0xbb: {  	_ =	strace $0x90000048  }
0xbc: {  	_ =	sfence  }
0xbd: {  	s30 =	sld [smem:$0x0];
	_ =	sdelay $0x2  }
0xbe: {  	s31 =	sshll.u32 s1, $0xD;
	s1 =	sshrl.u32 s1, $0x2  }
0xbf: {  	s3 =	sand.u32 $0x4000, s31;
	s1 =	sadd.s32 s1, s30  }
0xc0: {  	s0 =	sor.u32 s3, s0;
	s1 =	sshll.u32 s1, $0x11  }
0xc1: {  	s0 =	sor.u32 s1, s0  }
0xc2: {  	s0 =	sadd.s32 $0x8F2B, s0  }
0xc3: {  	[sflag:s0] =	ssyncadd.remote.s32 $0x1  }
0xc4: {  	_ =	sfence.sel $0xFFFF  }
0xc5: {  	[dreg:$0x0] =	wrdreg $0xFFFFFFFF;
	(pc) =	sbr.abs _section_cstart, $3  }
0xc6: {  	[dreg:$0x1] =	wrdreg $0xFFFFFFFF  }
0xc7: {  	_ =	task.clear_ibuf [dreg:s7], $0x2FFFF;
	_ =	strace $0x9FFFFFFF  }
0xc8: {  	(tm) =	ssettm $0x7FFFFFFF  }
0xc9: {  	_ =	shalt  }
tec
execute0_lowered:
.L_overlay_start_1:
0x0: {  	(tag) =	ssettag $0x1  }
0x1: {  	s1 =	rddreg [dreg:$0x0]  }
0x2: {  	s8 =	rddreg [dreg:$0x1];
	s2 =	simm.s32 $0x0  }
0x3: {  	[smem:$0x7FF] =	sst s2  }
0x4: {  	s0 =	rddreg [dreg:$0x2];
	v0 =	vimm.f32 $7.000000000e+00;
	_ =	strace $0x80000047  }
0x5: {  	(erf) = vrcp.f32 v0;
	_ =	sdelay $0x2  }
0x6: {  	s3 =	srdreg.scid  }
0x7: {  	s4 =	sand.u32 $0x1, s3  }
0x8: {  	s3 =	stileid.u32;
	s5 =	ssub.s32 $0x2, s4  }
0x9: {  	s11 =	simm.s32 $0x0;
	s7 =	sshll.u32 s3, $0x2;
	s6 =	sshrl.u32 s5, $0x1  }
0xa: {  	s9 =	sshll.u32 s4, $0x1;
	s4 =	sadd.s32 $0x600, s8;
	s10 =	ssub.s32 s5, s6  }
0xb: {  	s5 =	sor.u32 s9, s7;
	s6 =	sadd.s32 $0x2600, s8;
	s7 =	sadd.s32 $0x4600, s8  }
0xc: {  	v1 =	vimm.f32 $0.0e+00;
	v2 =	vlaneseq.u32;
	v3 =	vimm.f32 $1.000000000e+00;
	s8 =	sadd.s32 $0x6600, s8;
	s9 =	smax.u32 s10, $0x1;
	s10 =	simm.s32 $0x1;
	v0 =	vpop (erf)  }
.LBB2_1:
0xd: {  	s12 =	simm.s32 $0x0  }
.LBB2_2:
0xe: {  	p0 =	sne.s32 s12, $0x3FFC0  }
.Ltmp0:
0xf: {  	_ = 	snop;
	(pc) =	sbr.rel @p0 .LBB2_2-.Ltmp0, $3  }
0x10: {  	_ =	sdelay $0x1  }
0x11: {  	s13 =	sshra.s32 s12, $0x2  }
0x12: {  	s12 =	sadd.s32 $0x40, s12;
	[tilespmem:s13+$0x0] =	vst v1  }
0x13: {  	s12 =	simm.s32 $0x0;
	p1 =	por $0x1, $0x1;
	s13 =	simm.s32 $0x0  }
.LBB2_4:
0x14: {  	s13 =	sor.u32 s5, s13  }
0x15: {  	s14 =	sshll.u32 s13, $0x8  }
0x16: {  	s15 =	simm.s32 $0x10000;
	s14 =	sadd.s32 s1, s14  }
0x17: {  	[tilespmem:s15], [sflag:$0x1] =	stream.linear.gather [hbm4b:s14+s12], $0x800, $0x38;
	[tilespmem:$0x10800] =	vst v63  }
0x18: {  	_ =	swait.ge [sflag:s10], $0x800  }
0x19: {  	[sflag:s10] =	ssyncset.done $0x0  }
0x1a: {  	[sflag:s10] =	ssyncadd.s32 $0xFFFFF800  }
0x1b: {  	p0 =	por p1, p1;
	s16 =	simm.s32 $0x10;
	s14 =	simm.s32 $0x0;
	v4 =	vld [tilespmem:s15+$0x0]  }
.LBB2_5:
0x1c: {  	p1 =	sne.s32 s16, $0x7F0;
	_ =	sdelay $0x3  }
0x1d: {  	v4 =	vmax.f32 v4, $-3.500000000e+00  }
0x1e: {  	v4 =	vmin.f32 v4, $3.500000000e+00  }
0x1f: {  	v4 =	vadd.f32 $3.500000000e+00, v4;
	_ =	sdelay $0x1  }
0x20: {  	v4 =	vmul.f32 v4, v0;
	_ =	sdelay $0x1  }
0x21: {  	v4 =	vmul.f32 $1.280000000e+02, v4;
	_ =	sdelay $0x1  }
0x22: {  	v4 =	vtrunc.f32 v4  }
0x23: {  	v4 =	vcvt.f32.s32 v4;
	_ =	sdelay $0x1  }
0x24: {  	vm0 =	vgt.s32 v4, $0x0  }
0x25: {  	v5 =	vnsel vm0, $0x0, v4  }
0x26: {  	v5 =	vmin.u32 v5, $0x7F  }
0x27: {  	vm0 =	vlt.s32 v4, $0x20;
	v4 =	vshll.u32 v5, $0xB  }
0x28: {  	v4 =	vnsel vm0, $0x0, v4  }
0x29: {  	v4 =	vor.u32 s14, v4;
	s14 =	smov.u32 s16  }
0x2a: {  	v4 =	vor.u32 v2, v4;
	_ =	sdelay $0x1  }
.Ltmp1:
0x2b: {  	(pc) =	sbr.rel @p1 .LBB2_5-.Ltmp1, $3  }
0x2c: {  	_ =	sdelay $0x1  }
0x2d: {  	s15 =	sadd.s32 $0x10, s15;
	[tilespmem:v4+s2+$0x0] =	vst.idx.msk vm0, v3  }
0x2e: {  	s16 =	sadd.s32 $0x10, s16;
	v4 =	vld [tilespmem:s15+$0x0]  }
0x2f: {  	_ =	sdelay $0x3  }
0x30: {  	v4 =	vmax.f32 v4, $-3.500000000e+00  }
0x31: {  	v4 =	vmin.f32 v4, $3.500000000e+00  }
0x32: {  	v4 =	vadd.f32 $3.500000000e+00, v4;
	_ =	sdelay $0x1  }
0x33: {  	v4 =	vmul.f32 v4, v0;
	_ =	sdelay $0x1  }
0x34: {  	v4 =	vmul.f32 $1.280000000e+02, v4;
	_ =	sdelay $0x1  }
0x35: {  	v4 =	vtrunc.f32 v4  }
0x36: {  	v4 =	vcvt.f32.s32 v4;
	_ =	sdelay $0x1  }
0x37: {  	vm0 =	vgt.s32 v4, $0x0  }
0x38: {  	v5 =	vnsel vm0, $0x0, v4  }
0x39: {  	v5 =	vmin.u32 v5, $0x7F  }
0x3a: {  	vm15 =	vlt.s32 v4, $0x20;
	v4 =	vshll.u32 v5, $0xB  }
0x3b: {  	v4 =	vnsel vm15, $0x0, v4  }
0x3c: {  	v4 =	vor.u32 s14, v4  }
0x3d: {  	v4 =	vor.u32 v2, v4;
	_ =	sdelay $0x3  }
0x3e: {  	s13 =	sshll.u32 s13, $0xF  }
0x3f: {  	s15 =	sadd.s32 s4, s13;
	s14 =	simm.s32 $0x0;
	[tilespmem:v4+s2+$0x0] =	vst.idx.msk vm15, v3  }
0x40: {  	[hbm4b:s15+s14] =	stream.linear.scatter [tilespmem:s14], [sflag:$0x1], $0x10000, $0x38;
	[tilespmem:$0x10800] =	vst v63  }
0x41: {  	_ =	swait.ge [sflag:s10], $0x10000  }
0x42: {  	[sflag:s10] =	ssyncset.done $0x0  }
0x43: {  	s15 =	simm.s32 $0x10000;
	[sflag:s10] =	ssyncadd.s32 $0xFFFF0000  }
0x44: {  	s17 =	simm.s32 $0x10;
	s16 =	simm.s32 $0x0;
	s18 =	simm.s32 $0x10000;
	v4 =	vld [tilespmem:s15+$0x0]  }
.LBB2_7:
0x45: {  	p1 =	sne.s32 s17, $0x7F0;
	_ =	sdelay $0x3  }
0x46: {  	v4 =	vmax.f32 v4, $-3.500000000e+00  }
0x47: {  	v4 =	vmin.f32 v4, $3.500000000e+00  }
0x48: {  	v4 =	vadd.f32 $3.500000000e+00, v4;
	_ =	sdelay $0x1  }
0x49: {  	v4 =	vmul.f32 v4, v0;
	_ =	sdelay $0x1  }
0x4a: {  	v4 =	vmul.f32 $1.280000000e+02, v4;
	_ =	sdelay $0x1  }
0x4b: {  	v4 =	vtrunc.f32 v4  }
0x4c: {  	v4 =	vcvt.f32.s32 v4;
	_ =	sdelay $0x1  }
0x4d: {  	vm0 =	vgt.s32 v4, $0x0  }
0x4e: {  	v5 =	vnsel vm0, $0x0, v4  }
0x4f: {  	v5 =	vmin.u32 v5, $0x7F  }
0x50: {  	vm0 =	vlt.s32 v4, $0x20;
	v4 =	vshll.u32 v5, $0xB  }
0x51: {  	v4 =	vnsel vm0, $0x0, v4  }
0x52: {  	v4 =	vor.u32 s16, v4;
	s16 =	smov.u32 s17  }
0x53: {  	v4 =	vor.u32 v2, v4;
	_ =	sdelay $0x1  }
.Ltmp2:
0x54: {  	(pc) =	sbr.rel @p1 .LBB2_7-.Ltmp2, $3  }
0x55: {  	_ =	sdelay $0x1  }
0x56: {  	s18 =	sadd.s32 $0x10, s18;
	[tilespmem:v4+s14+$0x0] =	vst.idx.msk vm0, v1  }
0x57: {  	s17 =	sadd.s32 $0x10, s17;
	v4 =	vld [tilespmem:s18+$0x0]  }
0x58: {  	_ =	sdelay $0x3  }
0x59: {  	v4 =	vmax.f32 v4, $-3.500000000e+00  }
0x5a: {  	v4 =	vmin.f32 v4, $3.500000000e+00  }
0x5b: {  	v4 =	vadd.f32 $3.500000000e+00, v4;
	_ =	sdelay $0x1  }
0x5c: {  	v4 =	vmul.f32 v4, v0;
	_ =	sdelay $0x1  }
0x5d: {  	v4 =	vmul.f32 $1.280000000e+02, v4;
	_ =	sdelay $0x1  }
0x5e: {  	v4 =	vtrunc.f32 v4  }
0x5f: {  	v4 =	vcvt.f32.s32 v4;
	_ =	sdelay $0x1  }
0x60: {  	vm0 =	vgt.s32 v4, $0x0  }
0x61: {  	v5 =	vnsel vm0, $0x0, v4  }
0x62: {  	v5 =	vmin.u32 v5, $0x7F  }
0x63: {  	vm15 =	vlt.s32 v4, $0x20;
	v4 =	vshll.u32 v5, $0xB  }
0x64: {  	v4 =	vnsel vm15, $0x0, v4  }
0x65: {  	v4 =	vor.u32 s16, v4  }
0x66: {  	v4 =	vor.u32 v2, v4;
	_ =	sdelay $0x4  }
0x67: {  	[tilespmem:v4+s14+$0x0] =	vst.idx.msk vm15, v1  }
0x68: {  	s16 =	simm.s32 $0x10;
	v4 =	vld [tilespmem:s15+$0x0]  }
.LBB2_9:
0x69: {  	p1 =	sne.s32 s16, $0x7F0;
	_ =	sdelay $0x3  }
0x6a: {  	v4 =	vmax.f32 v4, $-3.500000000e+00  }
0x6b: {  	v4 =	vmin.f32 v4, $3.500000000e+00  }
0x6c: {  	v4 =	vadd.f32 $3.500000000e+00, v4;
	_ =	sdelay $0x1  }
0x6d: {  	v4 =	vmul.f32 v4, v0;
	_ =	sdelay $0x1  }
0x6e: {  	v4 =	vmul.f32 $1.280000000e+02, v4;
	_ =	sdelay $0x1  }
0x6f: {  	v4 =	vtrunc.f32 v4  }
0x70: {  	v4 =	vcvt.f32.s32 v4;
	_ =	sdelay $0x1  }
0x71: {  	vm0 =	vgt.s32 v4, $0x0  }
0x72: {  	v5 =	vnsel vm0, $0x0, v4  }
0x73: {  	v5 =	vmin.u32 v5, $0x7F  }
0x74: {  	v4 =	vand.u32 $0xFFFFFFE0, v4;
	v5 =	vshll.u32 v5, $0xB  }
0x75: {  	vm0 =	veq.s32 v4, $0x20;
	v4 =	vadd.s32 $0xFFFF0000, v5  }
0x76: {  	v4 =	vnsel vm0, $0x0, v4  }
0x77: {  	v4 =	vor.u32 s14, v4;
	s14 =	smov.u32 s16  }
0x78: {  	v4 =	vor.u32 v2, v4;
	_ =	sdelay $0x1  }
.Ltmp3:
0x79: {  	(pc) =	sbr.rel @p1 .LBB2_9-.Ltmp3, $3  }
0x7a: {  	_ =	sdelay $0x1  }
0x7b: {  	s15 =	sadd.s32 $0x10, s15;
	[tilespmem:v4+s2+$0x0] =	vst.idx.msk vm0, v3  }
0x7c: {  	s16 =	sadd.s32 $0x10, s16;
	v4 =	vld [tilespmem:s15+$0x0]  }
0x7d: {  	_ =	sdelay $0x3  }
0x7e: {  	v4 =	vmax.f32 v4, $-3.500000000e+00  }
0x7f: {  	v4 =	vmin.f32 v4, $3.500000000e+00  }
0x80: {  	v4 =	vadd.f32 $3.500000000e+00, v4;
	_ =	sdelay $0x1  }
0x81: {  	v4 =	vmul.f32 v4, v0;
	_ =	sdelay $0x1  }
0x82: {  	v4 =	vmul.f32 $1.280000000e+02, v4;
	_ =	sdelay $0x1  }
0x83: {  	v4 =	vtrunc.f32 v4  }
0x84: {  	v4 =	vcvt.f32.s32 v4;
	_ =	sdelay $0x1  }
0x85: {  	vm0 =	vgt.s32 v4, $0x0  }
0x86: {  	v5 =	vnsel vm0, $0x0, v4  }
0x87: {  	v5 =	vmin.u32 v5, $0x7F  }
0x88: {  	v4 =	vand.u32 $0xFFFFFFE0, v4;
	v5 =	vshll.u32 v5, $0xB  }
0x89: {  	vm15 =	veq.s32 v4, $0x20;
	v4 =	vadd.s32 $0xFFFF0000, v5  }
0x8a: {  	v4 =	vnsel vm15, $0x0, v4  }
0x8b: {  	v4 =	vor.u32 s14, v4  }
0x8c: {  	v4 =	vor.u32 v2, v4;
	_ =	sdelay $0x4  }
0x8d: {  	s15 =	sadd.s32 s13, s6;
	s14 =	simm.s32 $0x0;
	[tilespmem:v4+s2+$0x0] =	vst.idx.msk vm15, v3  }
0x8e: {  	[hbm4b:s15+s14] =	stream.linear.scatter [tilespmem:s14], [sflag:$0x1], $0x10000, $0x38;
	[tilespmem:$0x10800] =	vst v63  }
0x8f: {  	_ =	swait.ge [sflag:s10], $0x10000  }
0x90: {  	[sflag:s10] =	ssyncset.done $0x0  }
0x91: {  	s15 =	simm.s32 $0x10000;
	[sflag:s10] =	ssyncadd.s32 $0xFFFF0000  }
0x92: {  	s17 =	simm.s32 $0x10;
	s16 =	simm.s32 $0x0;
	s18 =	simm.s32 $0x10000;
	v4 =	vld [tilespmem:s15+$0x0]  }
.LBB2_11:
0x93: {  	p1 =	sne.s32 s17, $0x7F0;
	_ =	sdelay $0x3  }
0x94: {  	v4 =	vmax.f32 v4, $-3.500000000e+00  }
0x95: {  	v4 =	vmin.f32 v4, $3.500000000e+00  }
0x96: {  	v4 =	vadd.f32 $3.500000000e+00, v4;
	_ =	sdelay $0x1  }
0x97: {  	v4 =	vmul.f32 v4, v0;
	_ =	sdelay $0x1  }
0x98: {  	v4 =	vmul.f32 $1.280000000e+02, v4;
	_ =	sdelay $0x1  }
0x99: {  	v4 =	vtrunc.f32 v4  }
0x9a: {  	v4 =	vcvt.f32.s32 v4;
	_ =	sdelay $0x1  }
0x9b: {  	vm0 =	vgt.s32 v4, $0x0  }
0x9c: {  	v5 =	vnsel vm0, $0x0, v4  }
0x9d: {  	v5 =	vmin.u32 v5, $0x7F  }
0x9e: {  	v4 =	vand.u32 $0xFFFFFFE0, v4;
	v5 =	vshll.u32 v5, $0xB  }
0x9f: {  	vm0 =	veq.s32 v4, $0x20;
	v4 =	vadd.s32 $0xFFFF0000, v5  }
0xa0: {  	v4 =	vnsel vm0, $0x0, v4  }
0xa1: {  	v4 =	vor.u32 s16, v4;
	s16 =	smov.u32 s17  }
0xa2: {  	v4 =	vor.u32 v2, v4;
	_ =	sdelay $0x1  }
.Ltmp4:
0xa3: {  	(pc) =	sbr.rel @p1 .LBB2_11-.Ltmp4, $3  }
0xa4: {  	_ =	sdelay $0x1  }
0xa5: {  	s18 =	sadd.s32 $0x10, s18;
	[tilespmem:v4+s14+$0x0] =	vst.idx.msk vm0, v1  }
0xa6: {  	s17 =	sadd.s32 $0x10, s17;
	v4 =	vld [tilespmem:s18+$0x0]  }
0xa7: {  	_ =	sdelay $0x3  }
0xa8: {  	v4 =	vmax.f32 v4, $-3.500000000e+00  }
0xa9: {  	v4 =	vmin.f32 v4, $3.500000000e+00  }
0xaa: {  	v4 =	vadd.f32 $3.500000000e+00, v4;
	_ =	sdelay $0x1  }
0xab: {  	v4 =	vmul.f32 v4, v0;
	_ =	sdelay $0x1  }
0xac: {  	v4 =	vmul.f32 $1.280000000e+02, v4;
	_ =	sdelay $0x1  }
0xad: {  	v4 =	vtrunc.f32 v4  }
0xae: {  	v4 =	vcvt.f32.s32 v4;
	_ =	sdelay $0x1  }
0xaf: {  	vm0 =	vgt.s32 v4, $0x0  }
0xb0: {  	v5 =	vnsel vm0, $0x0, v4  }
0xb1: {  	v5 =	vmin.u32 v5, $0x7F  }
0xb2: {  	v4 =	vand.u32 $0xFFFFFFE0, v4;
	v5 =	vshll.u32 v5, $0xB  }
0xb3: {  	vm15 =	veq.s32 v4, $0x20;
	v4 =	vadd.s32 $0xFFFF0000, v5  }
0xb4: {  	v4 =	vnsel vm15, $0x0, v4  }
0xb5: {  	v4 =	vor.u32 s16, v4  }
0xb6: {  	v4 =	vor.u32 v2, v4;
	_ =	sdelay $0x4  }
0xb7: {  	[tilespmem:v4+s14+$0x0] =	vst.idx.msk vm15, v1  }
0xb8: {  	s16 =	simm.s32 $0x10;
	v4 =	vld [tilespmem:s15+$0x0]  }
.LBB2_13:
0xb9: {  	p1 =	sne.s32 s16, $0x7F0;
	_ =	sdelay $0x3  }
0xba: {  	v4 =	vmax.f32 v4, $-3.500000000e+00  }
0xbb: {  	v4 =	vmin.f32 v4, $3.500000000e+00  }
0xbc: {  	v4 =	vadd.f32 $3.500000000e+00, v4;
	_ =	sdelay $0x1  }
0xbd: {  	v4 =	vmul.f32 v4, v0;
	_ =	sdelay $0x1  }
0xbe: {  	v4 =	vmul.f32 $1.280000000e+02, v4;
	_ =	sdelay $0x1  }
0xbf: {  	v4 =	vtrunc.f32 v4  }
0xc0: {  	v4 =	vcvt.f32.s32 v4;
	_ =	sdelay $0x1  }
0xc1: {  	vm0 =	vgt.s32 v4, $0x0  }
0xc2: {  	v5 =	vnsel vm0, $0x0, v4  }
0xc3: {  	v5 =	vmin.u32 v5, $0x7F  }
0xc4: {  	v4 =	vand.u32 $0xFFFFFFE0, v4;
	v5 =	vshll.u32 v5, $0xB  }
0xc5: {  	vm0 =	veq.s32 v4, $0x40;
	v4 =	vadd.s32 $0xFFFE0000, v5  }
0xc6: {  	v4 =	vnsel vm0, $0x0, v4  }
0xc7: {  	v4 =	vor.u32 s14, v4;
	s14 =	smov.u32 s16  }
0xc8: {  	v4 =	vor.u32 v2, v4;
	_ =	sdelay $0x1  }
.Ltmp5:
0xc9: {  	(pc) =	sbr.rel @p1 .LBB2_13-.Ltmp5, $3  }
0xca: {  	_ =	sdelay $0x1  }
0xcb: {  	s15 =	sadd.s32 $0x10, s15;
	[tilespmem:v4+s2+$0x0] =	vst.idx.msk vm0, v3  }
0xcc: {  	s16 =	sadd.s32 $0x10, s16;
	v4 =	vld [tilespmem:s15+$0x0]  }
0xcd: {  	_ =	sdelay $0x3  }
0xce: {  	v4 =	vmax.f32 v4, $-3.500000000e+00  }
0xcf: {  	v4 =	vmin.f32 v4, $3.500000000e+00  }
0xd0: {  	v4 =	vadd.f32 $3.500000000e+00, v4;
	_ =	sdelay $0x1  }
0xd1: {  	v4 =	vmul.f32 v4, v0;
	_ =	sdelay $0x1  }
0xd2: {  	v4 =	vmul.f32 $1.280000000e+02, v4;
	_ =	sdelay $0x1  }
0xd3: {  	v4 =	vtrunc.f32 v4  }
0xd4: {  	v4 =	vcvt.f32.s32 v4;
	_ =	sdelay $0x1  }
0xd5: {  	vm0 =	vgt.s32 v4, $0x0  }
0xd6: {  	v5 =	vnsel vm0, $0x0, v4  }
0xd7: {  	v5 =	vmin.u32 v5, $0x7F  }
0xd8: {  	v4 =	vand.u32 $0xFFFFFFE0, v4;
	v5 =	vshll.u32 v5, $0xB  }
0xd9: {  	vm15 =	veq.s32 v4, $0x40;
	v4 =	vadd.s32 $0xFFFE0000, v5  }
0xda: {  	v4 =	vnsel vm15, $0x0, v4  }
0xdb: {  	v4 =	vor.u32 s14, v4  }
0xdc: {  	v4 =	vor.u32 v2, v4;
	_ =	sdelay $0x4  }
0xdd: {  	s15 =	sadd.s32 s13, s7;
	s14 =	simm.s32 $0x0;
	[tilespmem:v4+s2+$0x0] =	vst.idx.msk vm15, v3  }
0xde: {  	[hbm4b:s15+s14] =	stream.linear.scatter [tilespmem:s14], [sflag:$0x1], $0x10000, $0x38;
	[tilespmem:$0x10800] =	vst v63  }
0xdf: {  	_ =	swait.ge [sflag:s10], $0x10000  }
0xe0: {  	[sflag:s10] =	ssyncset.done $0x0  }
0xe1: {  	s15 =	simm.s32 $0x10000;
	[sflag:s10] =	ssyncadd.s32 $0xFFFF0000  }
0xe2: {  	s17 =	simm.s32 $0x10;
	s16 =	simm.s32 $0x0;
	s18 =	simm.s32 $0x10000;
	v4 =	vld [tilespmem:s15+$0x0]  }
.LBB2_15:
0xe3: {  	p1 =	sne.s32 s17, $0x7F0;
	_ =	sdelay $0x3  }
0xe4: {  	v4 =	vmax.f32 v4, $-3.500000000e+00  }
0xe5: {  	v4 =	vmin.f32 v4, $3.500000000e+00  }
0xe6: {  	v4 =	vadd.f32 $3.500000000e+00, v4;
	_ =	sdelay $0x1  }
0xe7: {  	v4 =	vmul.f32 v4, v0;
	_ =	sdelay $0x1  }
0xe8: {  	v4 =	vmul.f32 $1.280000000e+02, v4;
	_ =	sdelay $0x1  }
0xe9: {  	v4 =	vtrunc.f32 v4  }
0xea: {  	v4 =	vcvt.f32.s32 v4;
	_ =	sdelay $0x1  }
0xeb: {  	vm0 =	vgt.s32 v4, $0x0  }
0xec: {  	v5 =	vnsel vm0, $0x0, v4  }
0xed: {  	v5 =	vmin.u32 v5, $0x7F  }
0xee: {  	v4 =	vand.u32 $0xFFFFFFE0, v4;
	v5 =	vshll.u32 v5, $0xB  }
0xef: {  	vm0 =	veq.s32 v4, $0x40;
	v4 =	vadd.s32 $0xFFFE0000, v5  }
0xf0: {  	v4 =	vnsel vm0, $0x0, v4  }
0xf1: {  	v4 =	vor.u32 s16, v4;
	s16 =	smov.u32 s17  }
0xf2: {  	v4 =	vor.u32 v2, v4;
	_ =	sdelay $0x1  }
.Ltmp6:
0xf3: {  	(pc) =	sbr.rel @p1 .LBB2_15-.Ltmp6, $3  }
0xf4: {  	_ =	sdelay $0x1  }
0xf5: {  	s18 =	sadd.s32 $0x10, s18;
	[tilespmem:v4+s14+$0x0] =	vst.idx.msk vm0, v1  }
0xf6: {  	s17 =	sadd.s32 $0x10, s17;
	v4 =	vld [tilespmem:s18+$0x0]  }
0xf7: {  	_ =	sdelay $0x3  }
0xf8: {  	v4 =	vmax.f32 v4, $-3.500000000e+00  }
0xf9: {  	v4 =	vmin.f32 v4, $3.500000000e+00  }
0xfa: {  	v4 =	vadd.f32 $3.500000000e+00, v4;
	_ =	sdelay $0x1  }
0xfb: {  	v4 =	vmul.f32 v4, v0;
	_ =	sdelay $0x1  }
0xfc: {  	v4 =	vmul.f32 $1.280000000e+02, v4;
	_ =	sdelay $0x1  }
0xfd: {  	v4 =	vtrunc.f32 v4  }
0xfe: {  	v4 =	vcvt.f32.s32 v4;
	_ =	sdelay $0x1  }
0xff: {  	vm0 =	vgt.s32 v4, $0x0  }
0x100: {  	v5 =	vnsel vm0, $0x0, v4  }
0x101: {  	v5 =	vmin.u32 v5, $0x7F  }
0x102: {  	v4 =	vand.u32 $0xFFFFFFE0, v4;
	v5 =	vshll.u32 v5, $0xB  }
0x103: {  	vm15 =	veq.s32 v4, $0x40;
	v4 =	vadd.s32 $0xFFFE0000, v5  }
0x104: {  	v4 =	vnsel vm15, $0x0, v4  }
0x105: {  	v4 =	vor.u32 s16, v4  }
0x106: {  	v4 =	vor.u32 v2, v4;
	_ =	sdelay $0x4  }
0x107: {  	[tilespmem:v4+s14+$0x0] =	vst.idx.msk vm15, v1  }
0x108: {  	s16 =	simm.s32 $0x10;
	v4 =	vld [tilespmem:s15+$0x0]  }
.LBB2_17:
0x109: {  	p1 =	sne.s32 s16, $0x7F0;
	_ =	sdelay $0x3  }
0x10a: {  	v4 =	vmax.f32 v4, $-3.500000000e+00  }
0x10b: {  	v4 =	vmin.f32 v4, $3.500000000e+00  }
0x10c: {  	v4 =	vadd.f32 $3.500000000e+00, v4;
	_ =	sdelay $0x1  }
0x10d: {  	v4 =	vmul.f32 v4, v0;
	_ =	sdelay $0x1  }
0x10e: {  	v4 =	vmul.f32 $1.280000000e+02, v4;
	_ =	sdelay $0x1  }
0x10f: {  	v4 =	vtrunc.f32 v4  }
0x110: {  	v4 =	vcvt.f32.s32 v4;
	_ =	sdelay $0x1  }
0x111: {  	vm0 =	vgt.s32 v4, $0x0  }
0x112: {  	v5 =	vnsel vm0, $0x0, v4  }
0x113: {  	v5 =	vmin.u32 v5, $0x7F  }
0x114: {  	v5 =	vshll.u32 v5, $0xB  }
0x115: {  	vm0 =	vgt.s32 v4, $0x5F;
	v4 =	vadd.s32 $0xFFFD0000, v5  }
0x116: {  	v4 =	vnsel vm0, $0x0, v4  }
0x117: {  	v4 =	vor.u32 s14, v4;
	s14 =	smov.u32 s16  }
0x118: {  	v4 =	vor.u32 v2, v4;
	_ =	sdelay $0x1  }
.Ltmp7:
0x119: {  	(pc) =	sbr.rel @p1 .LBB2_17-.Ltmp7, $3  }
0x11a: {  	_ =	sdelay $0x1  }
0x11b: {  	s15 =	sadd.s32 $0x10, s15;
	[tilespmem:v4+s2+$0x0] =	vst.idx.msk vm0, v3  }
0x11c: {  	s16 =	sadd.s32 $0x10, s16;
	v4 =	vld [tilespmem:s15+$0x0]  }
0x11d: {  	_ =	sdelay $0x3  }
0x11e: {  	v4 =	vmax.f32 v4, $-3.500000000e+00  }
0x11f: {  	v4 =	vmin.f32 v4, $3.500000000e+00  }
0x120: {  	v4 =	vadd.f32 $3.500000000e+00, v4;
	_ =	sdelay $0x1  }
0x121: {  	v4 =	vmul.f32 v4, v0;
	_ =	sdelay $0x1  }
0x122: {  	v4 =	vmul.f32 $1.280000000e+02, v4;
	_ =	sdelay $0x1  }
0x123: {  	v4 =	vtrunc.f32 v4  }
0x124: {  	v4 =	vcvt.f32.s32 v4;
	_ =	sdelay $0x1  }
0x125: {  	vm0 =	vgt.s32 v4, $0x0  }
0x126: {  	v5 =	vnsel vm0, $0x0, v4  }
0x127: {  	v5 =	vmin.u32 v5, $0x7F  }
0x128: {  	v5 =	vshll.u32 v5, $0xB  }
0x129: {  	vm15 =	vgt.s32 v4, $0x5F;
	v4 =	vadd.s32 $0xFFFD0000, v5  }
0x12a: {  	v4 =	vnsel vm15, $0x0, v4  }
0x12b: {  	v4 =	vor.u32 s14, v4  }
0x12c: {  	v4 =	vor.u32 v2, v4;
	_ =	sdelay $0x4  }
0x12d: {  	s31 =	sadd.s32 s13, s8;
	s13 =	simm.s32 $0x0;
	[tilespmem:v4+s2+$0x0] =	vst.idx.msk vm15, v3  }
0x12e: {  	[hbm4b:s31+s13] =	stream.linear.scatter [tilespmem:s13], [sflag:$0x1], $0x10000, $0x38;
	[tilespmem:$0x10800] =	vst v63  }
0x12f: {  	_ =	swait.ge [sflag:s10], $0x10000  }
0x130: {  	[sflag:s10] =	ssyncset.done $0x0  }
0x131: {  	s14 =	simm.s32 $0x10000;
	[sflag:s10] =	ssyncadd.s32 $0xFFFF0000  }
0x132: {  	s15 =	simm.s32 $0x10;
	v4 =	vld [tilespmem:s14+$0x0]  }
.LBB2_19:
0x133: {  	p1 =	sne.s32 s15, $0x7F0;
	_ =	sdelay $0x3  }
0x134: {  	v4 =	vmax.f32 v4, $-3.500000000e+00  }
0x135: {  	v4 =	vmin.f32 v4, $3.500000000e+00  }
0x136: {  	v4 =	vadd.f32 $3.500000000e+00, v4;
	_ =	sdelay $0x1  }
0x137: {  	v4 =	vmul.f32 v4, v0;
	_ =	sdelay $0x1  }
0x138: {  	v4 =	vmul.f32 $1.280000000e+02, v4;
	_ =	sdelay $0x1  }
0x139: {  	v4 =	vtrunc.f32 v4  }
0x13a: {  	v4 =	vcvt.f32.s32 v4;
	_ =	sdelay $0x1  }
0x13b: {  	vm0 =	vgt.s32 v4, $0x0  }
0x13c: {  	v5 =	vnsel vm0, $0x0, v4  }
0x13d: {  	v5 =	vmin.u32 v5, $0x7F  }
0x13e: {  	v5 =	vshll.u32 v5, $0xB  }
0x13f: {  	vm0 =	vgt.s32 v4, $0x5F;
	v4 =	vadd.s32 $0xFFFD0000, v5  }
0x140: {  	v4 =	vnsel vm0, $0x0, v4  }
0x141: {  	v4 =	vor.u32 s13, v4;
	s13 =	smov.u32 s15  }
0x142: {  	v4 =	vor.u32 v2, v4;
	_ =	sdelay $0x1  }
.Ltmp8:
0x143: {  	(pc) =	sbr.rel @p1 .LBB2_19-.Ltmp8, $3  }
0x144: {  	_ =	sdelay $0x1  }
0x145: {  	s14 =	sadd.s32 $0x10, s14;
	[tilespmem:v4+s2+$0x0] =	vst.idx.msk vm0, v1  }
0x146: {  	s15 =	sadd.s32 $0x10, s15;
	v4 =	vld [tilespmem:s14+$0x0]  }
0x147: {  	_ =	sdelay $0x3  }
0x148: {  	v4 =	vmax.f32 v4, $-3.500000000e+00  }
0x149: {  	v4 =	vmin.f32 v4, $3.500000000e+00  }
0x14a: {  	v4 =	vadd.f32 $3.500000000e+00, v4;
	_ =	sdelay $0x1  }
0x14b: {  	v4 =	vmul.f32 v4, v0;
	_ =	sdelay $0x1  }
0x14c: {  	v4 =	vmul.f32 $1.280000000e+02, v4;
	_ =	sdelay $0x1  }
0x14d: {  	v4 =	vtrunc.f32 v4  }
0x14e: {  	v4 =	vcvt.f32.s32 v4;
	_ =	sdelay $0x1  }
0x14f: {  	vm0 =	vgt.s32 v4, $0x0  }
0x150: {  	v5 =	vnsel vm0, $0x0, v4  }
0x151: {  	v5 =	vmin.u32 v5, $0x7F  }
0x152: {  	v5 =	vshll.u32 v5, $0xB  }
0x153: {  	vm15 =	vgt.s32 v4, $0x5F;
	v4 =	vadd.s32 $0xFFFD0000, v5  }
0x154: {  	v4 =	vnsel vm15, $0x0, v4  }
0x155: {  	v4 =	vor.u32 s13, v4  }
0x156: {  	v4 =	vor.u32 v2, v4  }
.Ltmp9:
0x157: {  	_ = 	snop;
	(pc) =	sbr.rel @p0 .LBB2_4-.Ltmp9, $2  }
0x158: {  	_ =	sdelay $0x2  }
0x159: {  	p1 =	por $0x0, $0x0;
	s13 =	simm.s32 $0x1;
	[tilespmem:v4+s2+$0x0] =	vst.idx.msk vm15, v1  }
0x15a: {  	s11 =	sadd.s32 $0x1, s11  }
0x15b: {  	p0 =	sne.s32 s11, s9  }
.Ltmp10:
0x15c: {  	_ = 	snop;
	(pc) =	sbr.rel @p0 .LBB2_1-.Ltmp10, $1  }
0x15d: {  	_ =	sdelay $0x3  }
0x15e: {  	_ =	sfence.sel $0x180000  }
0x15f: {  	[bflag:$0x0] =	sbarrier.arrive $0xFFFF  }
0x160: {  	p0 =	sne.s32 s3, $0x0;
	_ =	strace $0x90000047  }
0x161: {  	s0 =	sadd.s32 @!p0 $0x100000, s0;
	[bflag:$0x2] =	sbarrier.arrive $0xFFFF  }
0x162: {  	[sflag:s0] =	ssyncadd.tile.s32 @!p0 $0x1;
	_ =	shalt  }
.Lfunc_end2:
_tile_overlayer_lowered:
.L_overlay_start_2:
0x163: {  	(tag) =	ssettag $0x2  }
0x164: {  	s0 =	rddreg [dreg:$0x0];
	s2 =	stileid.u32  }
0x165: {  	s1 =	rddreg [dreg:$0x1];
	p0 =	sne.s32 s2, $0x0  }
0x166: {  	s3 =	rddreg [dreg:$0x2];
	[bflag:$0x3] =	sbarrier.arrive $0xFFFF;
	s2 =	simm.s32 @!p0 $0x1C01  }
0x167: {  	[timem:s3], [sflag:s2] =	dma.local @!p0 [hbm:s0], s1  }
0x168: {  	s0 =	simm.s32 @!p0 $0x1  }
0x169: {  	_ =	swait.ge @!p0 [sflag:s0], s1  }
0x16a: {  	s1 =	ssub.s32 @!p0 $0x0, s1;
	[sflag:s0] =	ssyncset.done @!p0 $0x0  }
0x16b: {  	[sflag:s0] =	ssyncadd.s32 @!p0 s1  }
0x16c: {  	[bflag:$0x3] =	sbarrier.arrive $0xFFFF  }
0x16d: {  	_ =	shalt  }

</sc_bundles>
